<compile_context>
chip_gen: v7x
topology: tpu7x:2x2x1
jax: 0.10.2.dev20260603
libtpu: 0.0.44.dev20260713+nightly
codegen_flags: <defaults>
</compile_context>

<pallas_src>
import functools

import jax
import jax.numpy as jnp
from jax import lax
from jax.experimental import pallas as pl
from jax.experimental.pallas import tpu as pltpu
from jax.experimental.pallas import tpu_sc as plsc

_NW = 32
_LANES = 16
_CH = 4


def _sc_gather_sum(ntab, etab, nidx2d, eidx2d, deg, n_pad, d):
    ipc = _CH * deg
    nchunks = n_pad // _CH
    per_w = nchunks // _NW
    nouter = per_w // 2

    mesh = plsc.VectorSubcoreMesh(core_axis_name="c", subcore_axis_name="s")

    @functools.partial(
        pl.kernel,
        mesh=mesh,
        out_type=[jax.ShapeDtypeStruct((n_pad, d), jnp.float32),
                  jax.ShapeDtypeStruct((n_pad, d), jnp.float32)],
        scratch_types=[
            pltpu.VMEM((ipc,), jnp.int32),
            pltpu.VMEM((ipc,), jnp.int32),
            pltpu.VMEM((ipc,), jnp.int32),
            pltpu.VMEM((ipc,), jnp.int32),
            pltpu.VMEM((ipc, d), jnp.float32),
            pltpu.VMEM((ipc, d), jnp.float32),
            pltpu.VMEM((ipc, d), jnp.float32),
            pltpu.VMEM((ipc, d), jnp.float32),
            pltpu.VMEM((_CH, d), jnp.float32),
            pltpu.VMEM((_CH, d), jnp.float32),
            pltpu.SemaphoreType.DMA,
            pltpu.SemaphoreType.DMA,
            pltpu.SemaphoreType.DMA,
            pltpu.SemaphoreType.DMA,
        ],
    )
    def sc_kernel(node_hbm, edge_hbm, nidx_hbm, eidx_hbm, gn_hbm, ge_hbm,
                  nidx0, nidx1, eidx0, eidx1, nrows0, nrows1, erows0, erows1,
                  outn_v, oute_v, semn0, semn1, seme0, seme1):
        nidx = (nidx0, nidx1)
        eidx = (eidx0, eidx1)
        nrows = (nrows0, nrows1)
        erows = (erows0, erows1)
        semn = (semn0, semn1)
        seme = (seme0, seme1)
        wid = lax.axis_index("s") * 2 + lax.axis_index("c")
        start = wid * per_w
        start_row = start * _CH

        def load_idx(k, buf):
            pltpu.sync_copy(nidx_hbm.at[start + k], nidx[buf])
            pltpu.sync_copy(eidx_hbm.at[start + k], eidx[buf])

        def fire(buf):
            pltpu.async_copy(node_hbm.at[nidx[buf]], nrows[buf], semn[buf])
            pltpu.async_copy(edge_hbm.at[eidx[buf]], erows[buf], seme[buf])

        def drain(buf):
            pltpu.make_async_copy(node_hbm.at[nidx[buf]], nrows[buf],
                                  semn[buf]).wait()
            pltpu.make_async_copy(edge_hbm.at[eidx[buf]], erows[buf],
                                  seme[buf]).wait()

        def compute(b, k):
            def node_body(node, carry):
                nvec = d // _LANES
                def row_body(r, accs):
                    row = node * deg + r
                    upd_n = tuple(
                        accs[j] + nrows[b][row, pl.ds(_LANES * j, _LANES)]
                        for j in range(nvec))
                    upd_e = tuple(
                        accs[nvec + j] + erows[b][row, pl.ds(_LANES * j, _LANES)]
                        for j in range(nvec))
                    return upd_n + upd_e
                zeros = tuple(jnp.zeros((_LANES,), jnp.float32)
                              for _ in range(2 * nvec))
                accs = lax.fori_loop(0, deg, row_body, zeros)
                for j in range(nvec):
                    outn_v[node, pl.ds(_LANES * j, _LANES)] = accs[j]
                    oute_v[node, pl.ds(_LANES * j, _LANES)] = accs[nvec + j]
                return carry
            lax.fori_loop(0, _CH, node_body, 0)
            pltpu.sync_copy(outn_v, gn_hbm.at[pl.ds(start_row + k * _CH, _CH), :])
            pltpu.sync_copy(oute_v, ge_hbm.at[pl.ds(start_row + k * _CH, _CH), :])

        load_idx(0, 0)
        fire(0)

        def outer(i, carry):
            for b in range(2):
                k = 2 * i + b
                if b == 0:
                    load_idx(k + 1, 1)
                    fire(1)
                else:
                    @pl.when(i < nouter - 1)
                    def _():
                        load_idx(k + 1, 0)
                        fire(0)
                drain(b)
                compute(b, k)
            return carry

        lax.fori_loop(0, nouter, outer, 0)

    return sc_kernel(ntab, etab, nidx2d, eidx2d)


def _tc_finish(node_feats, gn, ge, w, b2, scale):
    n, d = node_feats.shape
    h = w.shape[0]
    br = 2000
    grid = (n // br,)

    def body(x_ref, gn_ref, ge_ref, w_ref, b_ref, o_ref):
        xs = x_ref[...] + gn_ref[...]
        acc = lax.dot_general(xs, w_ref[...], (((1,), (1,)), ((), ())),
                              preferred_element_type=jnp.float32)
        o_ref[...] = acc + ge_ref[...] + scale * b_ref[...]

    return pl.pallas_call(
        body,
        grid=grid,
        in_specs=[
            pl.BlockSpec((br, d), lambda i: (i, 0)),
            pl.BlockSpec((br, h), lambda i: (i, 0)),
            pl.BlockSpec((br, h), lambda i: (i, 0)),
            pl.BlockSpec((h, d), lambda i: (0, 0)),
            pl.BlockSpec((1, h), lambda i: (0, 0)),
        ],
        out_specs=pl.BlockSpec((br, h), lambda i: (i, 0)),
        out_shape=jax.ShapeDtypeStruct((n, h), jnp.float32),
    )(node_feats, gn, ge, w, b2)


def kernel(node_feats, edge_feats, neighbors, W, b):
    n, d = node_feats.shape
    deg = neighbors.shape[1]
    ipc = _CH * deg
    chunks_per_w = -(-(n // _CH) // (2 * _NW)) * 2
    n_pad = chunks_per_w * _NW * _CH
    nchunks = n_pad // _CH
    nidx = neighbors[:, :, 0].reshape(n * deg)
    eidx = neighbors[:, :, 1].reshape(n * deg)
    pad = nchunks * ipc - n * deg
    tail = jnp.arange(pad, dtype=jnp.int32) % n
    nidx2d = jnp.concatenate([nidx, tail]).reshape(nchunks, ipc)
    eidx2d = jnp.concatenate([eidx, tail]).reshape(nchunks, ipc)
    gn, ge = _sc_gather_sum(node_feats, edge_feats, nidx2d, eidx2d,
                            deg, n_pad, d)
    return _tc_finish(node_feats, gn, ge, W, b.reshape(1, -1), float(deg + 1))

# --- scband reference (transcript-rebuilt; emitter-appended) ---
"""Pipeline reference for scband-aggnode-graph-47090021433990 (READ-ONLY COPY).

The authoritative reference and input builder live on the scoring server;
editing this copy changes nothing except your own understanding.
"""

import jax, jax.numpy as jnp
import numpy as np

N = 10000
D = 128
H = 128
DEG = 32
E = N * DEG

def setup_inputs(seed: int = 0) -> dict:
    key = jax.random.key(seed)
    k1, k2, k3, k4 = jax.random.split(key, 4)
    node_feats = jax.random.normal(k1, (N, D), dtype=jnp.float32)
    edge_feats = jax.random.normal(k2, (E, H), dtype=jnp.float32)
    # neighbors[i] is a list of (neighbor_node_idx, edge_idx) pairs; fill_max=N keeps
    # both index columns in-range (N <= E).
    neighbors = jax.random.randint(k3, (N, DEG, 2), 0, N, dtype=jnp.int32)
    W = jax.random.normal(k4, (H, D), dtype=jnp.float32) * 0.02
    b = jnp.zeros((H,), dtype=jnp.float32)
    return {"node_feats": node_feats, "edge_feats": edge_feats, "neighbors": neighbors, "W": W, "b": b}

def reference(node_feats, edge_feats, neighbors, W, b):
    # node_feats_transformed = Linear(node_feats)
    h = node_feats @ W.T + b
    n_idx = neighbors[:, :, 0]  # [N, DEG] neighbor node indices
    e_idx = neighbors[:, :, 1]  # [N, DEG] edge indices
    # sum over neighbors of (h[n] + edge_feats[e])  -> gather + reduce
    gathered = jnp.take(h, n_idx, axis=0) + jnp.take(edge_feats, e_idx, axis=0)  # [N, DEG, H]
    sum_neighs = jnp.sum(gathered, axis=1)  # [N, H]
    agg_feat = h + sum_neighs
    return agg_feat

if __name__ == "__main__":
    import jax
    _d = setup_inputs()
    print(jax.jit(kernel)(*tuple(_d.values())))

</pallas_src>

<mosaic_0001>
#map = affine_map<(d0, d1) -> (0, 0)>
module attributes {stable_mosaic.version = 14 : i64} {
  func.func @sc_kernel(%arg0: i32, %arg1: i32, %arg2: memref<10000x128xf32, #tpu.memory_space<hbm>>, %arg3: memref<320000x128xf32, #tpu.memory_space<hbm>>, %arg4: memref<2560x128xi32, #tpu.memory_space<hbm>>, %arg5: memref<2560x128xi32, #tpu.memory_space<hbm>>, %arg6: memref<10240x128xf32, #tpu.memory_space<hbm>>, %arg7: memref<10240x128xf32, #tpu.memory_space<hbm>>, %arg8: memref<128xi32, #tpu.memory_space<vmem>>, %arg9: memref<128xi32, #tpu.memory_space<vmem>>, %arg10: memref<128xi32, #tpu.memory_space<vmem>>, %arg11: memref<128xi32, #tpu.memory_space<vmem>>, %arg12: memref<128x128xf32, #tpu.memory_space<vmem>>, %arg13: memref<128x128xf32, #tpu.memory_space<vmem>>, %arg14: memref<128x128xf32, #tpu.memory_space<vmem>>, %arg15: memref<128x128xf32, #tpu.memory_space<vmem>>, %arg16: memref<4x128xf32, #tpu.memory_space<vmem>>, %arg17: memref<4x128xf32, #tpu.memory_space<vmem>>, %arg18: memref<!tpu.dma_semaphore, #tpu.memory_space<semaphore_mem>>, %arg19: memref<!tpu.dma_semaphore, #tpu.memory_space<semaphore_mem>>, %arg20: memref<!tpu.dma_semaphore, #tpu.memory_space<semaphore_mem>>, %arg21: memref<!tpu.dma_semaphore, #tpu.memory_space<semaphore_mem>>) attributes {dimension_semantics = [#tpu.dimension_semantics<core_parallel>, #tpu.dimension_semantics<subcore_parallel>], iteration_bounds = array<i64: 2, 16>, scalar_prefetch = 0 : i64, scratch_operands = 14 : i64, tpu.core_type = #tpu.core_type<sc_vector_subcore>, window_params = [{transform_indices = #map}, {transform_indices = #map}, {transform_indices = #map}, {transform_indices = #map}, {transform_indices = #map}, {transform_indices = #map}]} {
    %mul3A = arith.constant 2 : i32
    %mul3A_0 = arith.muli %arg1, %mul3A : i32
    %add3A = arith.addi %mul3A_0, %arg0 : i32
    %mul3A_1 = arith.constant 80 : i32
    %mul3A_2 = arith.muli %add3A, %mul3A_1 : i32
    %mul3A_3 = arith.constant 4 : i32
    %mul3A_4 = arith.muli %mul3A_2, %mul3A_3 : i32
    %add3A_5 = arith.constant 0 : i32
    %add3A_6 = arith.addi %mul3A_2, %add3A_5 : i32
    "tpu.region"() ({
      %run_scoped3A = tpu.sem_alloc : memref<!tpu.dma_semaphore, #tpu.memory_space<semaphore_mem>>
      %dma_start3A_19 = arith.constant 0 : i32
      %dma_start3A_20 = tpu.memref_slice %arg4[%add3A_6, %dma_start3A_19] : memref<2560x128xi32, #tpu.memory_space<hbm>> -> memref<1x128xi32, #tpu.memory_space<hbm>>
      %dma_start3A_21 = tpu.memref_squeeze %dma_start3A_20 : memref<1x128xi32, #tpu.memory_space<hbm>> -> memref<128xi32, #tpu.memory_space<hbm>>
      %dma_start3A_22 = arith.constant 0 : i32
      %dma_start3A_23 = tpu.memref_slice %arg4[%add3A_6, %dma_start3A_22] : memref<2560x128xi32, #tpu.memory_space<hbm>> -> memref<1x128xi32, #tpu.memory_space<hbm>>
      %dma_start3A_24 = tpu.memref_squeeze %dma_start3A_23 : memref<1x128xi32, #tpu.memory_space<hbm>> -> memref<128xi32, #tpu.memory_space<hbm>>
      tpu.enqueue_dma source(%dma_start3A_24 : memref<128xi32, #tpu.memory_space<hbm>>) target(%arg8 : memref<128xi32, #tpu.memory_space<vmem>>) target_semaphore(%run_scoped3A : memref<!tpu.dma_semaphore, #tpu.memory_space<semaphore_mem>>)
      %dma_wait3A = arith.constant 0 : i32
      %dma_wait3A_25 = tpu.memref_slice %arg4[%add3A_6, %dma_wait3A] : memref<2560x128xi32, #tpu.memory_space<hbm>> -> memref<1x128xi32, #tpu.memory_space<hbm>>
      %dma_wait3A_26 = tpu.memref_squeeze %dma_wait3A_25 : memref<1x128xi32, #tpu.memory_space<hbm>> -> memref<128xi32, #tpu.memory_space<hbm>>
      %dma_wait3A_27 = arith.constant 0 : i32
      %dma_wait3A_28 = tpu.memref_slice %arg4[%add3A_6, %dma_wait3A_27] : memref<2560x128xi32, #tpu.memory_space<hbm>> -> memref<1x128xi32, #tpu.memory_space<hbm>>
      %dma_wait3A_29 = tpu.memref_squeeze %dma_wait3A_28 : memref<1x128xi32, #tpu.memory_space<hbm>> -> memref<128xi32, #tpu.memory_space<hbm>>
      tpu.wait_dma2 semaphore(%run_scoped3A : memref<!tpu.dma_semaphore, #tpu.memory_space<semaphore_mem>>) src(%dma_wait3A_29 : memref<128xi32, #tpu.memory_space<hbm>>) dst(%arg8 : memref<128xi32, #tpu.memory_space<vmem>>)
      tpu.yield
    }) : () -> ()
    %add3A_7 = arith.constant 0 : i32
    %add3A_8 = arith.addi %mul3A_2, %add3A_7 : i32
    "tpu.region"() ({
      %run_scoped3A = tpu.sem_alloc : memref<!tpu.dma_semaphore, #tpu.memory_space<semaphore_mem>>
      %dma_start3A_19 = arith.constant 0 : i32
      %dma_start3A_20 = tpu.memref_slice %arg5[%add3A_8, %dma_start3A_19] : memref<2560x128xi32, #tpu.memory_space<hbm>> -> memref<1x128xi32, #tpu.memory_space<hbm>>
      %dma_start3A_21 = tpu.memref_squeeze %dma_start3A_20 : memref<1x128xi32, #tpu.memory_space<hbm>> -> memref<128xi32, #tpu.memory_space<hbm>>
      %dma_start3A_22 = arith.constant 0 : i32
      %dma_start3A_23 = tpu.memref_slice %arg5[%add3A_8, %dma_start3A_22] : memref<2560x128xi32, #tpu.memory_space<hbm>> -> memref<1x128xi32, #tpu.memory_space<hbm>>
      %dma_start3A_24 = tpu.memref_squeeze %dma_start3A_23 : memref<1x128xi32, #tpu.memory_space<hbm>> -> memref<128xi32, #tpu.memory_space<hbm>>
      tpu.enqueue_dma source(%dma_start3A_24 : memref<128xi32, #tpu.memory_space<hbm>>) target(%arg10 : memref<128xi32, #tpu.memory_space<vmem>>) target_semaphore(%run_scoped3A : memref<!tpu.dma_semaphore, #tpu.memory_space<semaphore_mem>>)
      %dma_wait3A = arith.constant 0 : i32
      %dma_wait3A_25 = tpu.memref_slice %arg5[%add3A_8, %dma_wait3A] : memref<2560x128xi32, #tpu.memory_space<hbm>> -> memref<1x128xi32, #tpu.memory_space<hbm>>
      %dma_wait3A_26 = tpu.memref_squeeze %dma_wait3A_25 : memref<1x128xi32, #tpu.memory_space<hbm>> -> memref<128xi32, #tpu.memory_space<hbm>>
      %dma_wait3A_27 = arith.constant 0 : i32
      %dma_wait3A_28 = tpu.memref_slice %arg5[%add3A_8, %dma_wait3A_27] : memref<2560x128xi32, #tpu.memory_space<hbm>> -> memref<1x128xi32, #tpu.memory_space<hbm>>
      %dma_wait3A_29 = tpu.memref_squeeze %dma_wait3A_28 : memref<1x128xi32, #tpu.memory_space<hbm>> -> memref<128xi32, #tpu.memory_space<hbm>>
      tpu.wait_dma2 semaphore(%run_scoped3A : memref<!tpu.dma_semaphore, #tpu.memory_space<semaphore_mem>>) src(%dma_wait3A_29 : memref<128xi32, #tpu.memory_space<hbm>>) dst(%arg10 : memref<128xi32, #tpu.memory_space<vmem>>)
      tpu.yield
    }) : () -> ()
    %dma_start3A = arith.constant 0 : i32
    %dma_start3A_9 = arith.constant 0 : i32
    %dma_start3A_10 = tpu.memref_slice %arg2[%dma_start3A, %dma_start3A_9] : memref<10000x128xf32, #tpu.memory_space<hbm>> -> memref<10000x128xf32, #tpu.memory_space<hbm>>
    tpu.enqueue_indirect_dma source(%dma_start3A_10 : memref<10000x128xf32, #tpu.memory_space<hbm>>) target(%arg12 : memref<128x128xf32, #tpu.memory_space<vmem>>) offsets(%arg8 : memref<128xi32, #tpu.memory_space<vmem>>) semaphore(%arg18 : memref<!tpu.dma_semaphore, #tpu.memory_space<semaphore_mem>>)
    %dma_start3A_11 = arith.constant 0 : i32
    %dma_start3A_12 = arith.constant 0 : i32
    %dma_start3A_13 = tpu.memref_slice %arg3[%dma_start3A_11, %dma_start3A_12] : memref<320000x128xf32, #tpu.memory_space<hbm>> -> memref<320000x128xf32, #tpu.memory_space<hbm>>
    tpu.enqueue_indirect_dma source(%dma_start3A_13 : memref<320000x128xf32, #tpu.memory_space<hbm>>) target(%arg14 : memref<128x128xf32, #tpu.memory_space<vmem>>) offsets(%arg10 : memref<128xi32, #tpu.memory_space<vmem>>) semaphore(%arg20 : memref<!tpu.dma_semaphore, #tpu.memory_space<semaphore_mem>>)
    %scan3A = arith.constant 0 : i32
    %scan3A_14 = arith.constant 0 : i32
    %scan3A_15 = arith.constant 40 : i32
    %scan3A_16 = arith.addi %scan3A_14, %scan3A_15 : i32
    %scan3A_17 = arith.constant 1 : i32
    scf.for %scan3A_19 = %scan3A_14 to %scan3A_16 step %scan3A_17  : i32 {
      %mul3A_20 = arith.constant 2 : i32
      %mul3A_21 = arith.muli %mul3A_20, %scan3A_19 : i32
      %add3A_22 = arith.constant 0 : i32
      %add3A_23 = arith.addi %mul3A_21, %add3A_22 : i32
      %add3A_24 = arith.constant 1 : i32
      %add3A_25 = arith.addi %add3A_23, %add3A_24 : i32
      %add3A_26 = arith.addi %mul3A_2, %add3A_25 : i32
      "tpu.region"() ({
        %run_scoped3A = tpu.sem_alloc : memref<!tpu.dma_semaphore, #tpu.memory_space<semaphore_mem>>
        %dma_start3A_75 = arith.constant 0 : i32
        %dma_start3A_76 = tpu.memref_slice %arg4[%add3A_26, %dma_start3A_75] : memref<2560x128xi32, #tpu.memory_space<hbm>> -> memref<1x128xi32, #tpu.memory_space<hbm>>
        %dma_start3A_77 = tpu.memref_squeeze %dma_start3A_76 : memref<1x128xi32, #tpu.memory_space<hbm>> -> memref<128xi32, #tpu.memory_space<hbm>>
        %dma_start3A_78 = arith.constant 0 : i32
        %dma_start3A_79 = tpu.memref_slice %arg4[%add3A_26, %dma_start3A_78] : memref<2560x128xi32, #tpu.memory_space<hbm>> -> memref<1x128xi32, #tpu.memory_space<hbm>>
        %dma_start3A_80 = tpu.memref_squeeze %dma_start3A_79 : memref<1x128xi32, #tpu.memory_space<hbm>> -> memref<128xi32, #tpu.memory_space<hbm>>
        tpu.enqueue_dma source(%dma_start3A_80 : memref<128xi32, #tpu.memory_space<hbm>>) target(%arg9 : memref<128xi32, #tpu.memory_space<vmem>>) target_semaphore(%run_scoped3A : memref<!tpu.dma_semaphore, #tpu.memory_space<semaphore_mem>>)
        %dma_wait3A_81 = arith.constant 0 : i32
        %dma_wait3A_82 = tpu.memref_slice %arg4[%add3A_26, %dma_wait3A_81] : memref<2560x128xi32, #tpu.memory_space<hbm>> -> memref<1x128xi32, #tpu.memory_space<hbm>>
        %dma_wait3A_83 = tpu.memref_squeeze %dma_wait3A_82 : memref<1x128xi32, #tpu.memory_space<hbm>> -> memref<128xi32, #tpu.memory_space<hbm>>
        %dma_wait3A_84 = arith.constant 0 : i32
        %dma_wait3A_85 = tpu.memref_slice %arg4[%add3A_26, %dma_wait3A_84] : memref<2560x128xi32, #tpu.memory_space<hbm>> -> memref<1x128xi32, #tpu.memory_space<hbm>>
        %dma_wait3A_86 = tpu.memref_squeeze %dma_wait3A_85 : memref<1x128xi32, #tpu.memory_space<hbm>> -> memref<128xi32, #tpu.memory_space<hbm>>
        tpu.wait_dma2 semaphore(%run_scoped3A : memref<!tpu.dma_semaphore, #tpu.memory_space<semaphore_mem>>) src(%dma_wait3A_86 : memref<128xi32, #tpu.memory_space<hbm>>) dst(%arg9 : memref<128xi32, #tpu.memory_space<vmem>>)
        tpu.yield
      }) : () -> ()
      %add3A_27 = arith.addi %mul3A_2, %add3A_25 : i32
      "tpu.region"() ({
        %run_scoped3A = tpu.sem_alloc : memref<!tpu.dma_semaphore, #tpu.memory_space<semaphore_mem>>
        %dma_start3A_75 = arith.constant 0 : i32
        %dma_start3A_76 = tpu.memref_slice %arg5[%add3A_27, %dma_start3A_75] : memref<2560x128xi32, #tpu.memory_space<hbm>> -> memref<1x128xi32, #tpu.memory_space<hbm>>
        %dma_start3A_77 = tpu.memref_squeeze %dma_start3A_76 : memref<1x128xi32, #tpu.memory_space<hbm>> -> memref<128xi32, #tpu.memory_space<hbm>>
        %dma_start3A_78 = arith.constant 0 : i32
        %dma_start3A_79 = tpu.memref_slice %arg5[%add3A_27, %dma_start3A_78] : memref<2560x128xi32, #tpu.memory_space<hbm>> -> memref<1x128xi32, #tpu.memory_space<hbm>>
        %dma_start3A_80 = tpu.memref_squeeze %dma_start3A_79 : memref<1x128xi32, #tpu.memory_space<hbm>> -> memref<128xi32, #tpu.memory_space<hbm>>
        tpu.enqueue_dma source(%dma_start3A_80 : memref<128xi32, #tpu.memory_space<hbm>>) target(%arg11 : memref<128xi32, #tpu.memory_space<vmem>>) target_semaphore(%run_scoped3A : memref<!tpu.dma_semaphore, #tpu.memory_space<semaphore_mem>>)
        %dma_wait3A_81 = arith.constant 0 : i32
        %dma_wait3A_82 = tpu.memref_slice %arg5[%add3A_27, %dma_wait3A_81] : memref<2560x128xi32, #tpu.memory_space<hbm>> -> memref<1x128xi32, #tpu.memory_space<hbm>>
        %dma_wait3A_83 = tpu.memref_squeeze %dma_wait3A_82 : memref<1x128xi32, #tpu.memory_space<hbm>> -> memref<128xi32, #tpu.memory_space<hbm>>
        %dma_wait3A_84 = arith.constant 0 : i32
        %dma_wait3A_85 = tpu.memref_slice %arg5[%add3A_27, %dma_wait3A_84] : memref<2560x128xi32, #tpu.memory_space<hbm>> -> memref<1x128xi32, #tpu.memory_space<hbm>>
        %dma_wait3A_86 = tpu.memref_squeeze %dma_wait3A_85 : memref<1x128xi32, #tpu.memory_space<hbm>> -> memref<128xi32, #tpu.memory_space<hbm>>
        tpu.wait_dma2 semaphore(%run_scoped3A : memref<!tpu.dma_semaphore, #tpu.memory_space<semaphore_mem>>) src(%dma_wait3A_86 : memref<128xi32, #tpu.memory_space<hbm>>) dst(%arg11 : memref<128xi32, #tpu.memory_space<vmem>>)
        tpu.yield
      }) : () -> ()
      %dma_start3A_28 = arith.constant 0 : i32
      %dma_start3A_29 = arith.constant 0 : i32
      %dma_start3A_30 = tpu.memref_slice %arg2[%dma_start3A_28, %dma_start3A_29] : memref<10000x128xf32, #tpu.memory_space<hbm>> -> memref<10000x128xf32, #tpu.memory_space<hbm>>
      tpu.enqueue_indirect_dma source(%dma_start3A_30 : memref<10000x128xf32, #tpu.memory_space<hbm>>) target(%arg13 : memref<128x128xf32, #tpu.memory_space<vmem>>) offsets(%arg9 : memref<128xi32, #tpu.memory_space<vmem>>) semaphore(%arg19 : memref<!tpu.dma_semaphore, #tpu.memory_space<semaphore_mem>>)
      %dma_start3A_31 = arith.constant 0 : i32
      %dma_start3A_32 = arith.constant 0 : i32
      %dma_start3A_33 = tpu.memref_slice %arg3[%dma_start3A_31, %dma_start3A_32] : memref<320000x128xf32, #tpu.memory_space<hbm>> -> memref<320000x128xf32, #tpu.memory_space<hbm>>
      tpu.enqueue_indirect_dma source(%dma_start3A_33 : memref<320000x128xf32, #tpu.memory_space<hbm>>) target(%arg15 : memref<128x128xf32, #tpu.memory_space<vmem>>) offsets(%arg11 : memref<128xi32, #tpu.memory_space<vmem>>) semaphore(%arg21 : memref<!tpu.dma_semaphore, #tpu.memory_space<semaphore_mem>>)
      %dma_wait3A = arith.constant 0 : i32
      %dma_wait3A_34 = arith.constant 0 : i32
      %dma_wait3A_35 = tpu.memref_slice %arg2[%dma_wait3A, %dma_wait3A_34] : memref<10000x128xf32, #tpu.memory_space<hbm>> -> memref<10000x128xf32, #tpu.memory_space<hbm>>
      tpu.wait_indirect_dma semaphore(%arg18 : memref<!tpu.dma_semaphore, #tpu.memory_space<semaphore_mem>>) src(%dma_wait3A_35 : memref<10000x128xf32, #tpu.memory_space<hbm>>) dst(%arg12 : memref<128x128xf32, #tpu.memory_space<vmem>>)
      %dma_wait3A_36 = arith.constant 0 : i32
      %dma_wait3A_37 = arith.constant 0 : i32
      %dma_wait3A_38 = tpu.memref_slice %arg3[%dma_wait3A_36, %dma_wait3A_37] : memref<320000x128xf32, #tpu.memory_space<hbm>> -> memref<320000x128xf32, #tpu.memory_space<hbm>>
      tpu.wait_indirect_dma semaphore(%arg20 : memref<!tpu.dma_semaphore, #tpu.memory_space<semaphore_mem>>) src(%dma_wait3A_38 : memref<320000x128xf32, #tpu.memory_space<hbm>>) dst(%arg14 : memref<128x128xf32, #tpu.memory_space<vmem>>)
      %scan3A_39 = arith.constant 0 : i32
      %scan3A_40 = arith.constant 0 : i32
      %scan3A_41 = arith.constant 4 : i32
      %scan3A_42 = arith.addi %scan3A_40, %scan3A_41 : i32
      %scan3A_43 = arith.constant 1 : i32
      scf.for %scan3A_75 = %scan3A_40 to %scan3A_42 step %scan3A_43  : i32 {
        %broadcast_in_dim3A = arith.constant 0.000000e+00 : f32
        %broadcast_in_dim3A_76 = vector.broadcast %broadcast_in_dim3A : f32 to vector<16xf32>
        %broadcast_in_dim3A_77 = arith.constant 0.000000e+00 : f32
        %broadcast_in_dim3A_78 = vector.broadcast %broadcast_in_dim3A_77 : f32 to vector<16xf32>
        %broadcast_in_dim3A_79 = arith.constant 0.000000e+00 : f32
        %broadcast_in_dim3A_80 = vector.broadcast %broadcast_in_dim3A_79 : f32 to vector<16xf32>
        %broadcast_in_dim3A_81 = arith.constant 0.000000e+00 : f32
        %broadcast_in_dim3A_82 = vector.broadcast %broadcast_in_dim3A_81 : f32 to vector<16xf32>
        %broadcast_in_dim3A_83 = arith.constant 0.000000e+00 : f32
        %broadcast_in_dim3A_84 = vector.broadcast %broadcast_in_dim3A_83 : f32 to vector<16xf32>
        %broadcast_in_dim3A_85 = arith.constant 0.000000e+00 : f32
        %broadcast_in_dim3A_86 = vector.broadcast %broadcast_in_dim3A_85 : f32 to vector<16xf32>
        %broadcast_in_dim3A_87 = arith.constant 0.000000e+00 : f32
        %broadcast_in_dim3A_88 = vector.broadcast %broadcast_in_dim3A_87 : f32 to vector<16xf32>
        %broadcast_in_dim3A_89 = arith.constant 0.000000e+00 : f32
        %broadcast_in_dim3A_90 = vector.broadcast %broadcast_in_dim3A_89 : f32 to vector<16xf32>
        %broadcast_in_dim3A_91 = arith.constant 0.000000e+00 : f32
        %broadcast_in_dim3A_92 = vector.broadcast %broadcast_in_dim3A_91 : f32 to vector<16xf32>
        %broadcast_in_dim3A_93 = arith.constant 0.000000e+00 : f32
        %broadcast_in_dim3A_94 = vector.broadcast %broadcast_in_dim3A_93 : f32 to vector<16xf32>
        %broadcast_in_dim3A_95 = arith.constant 0.000000e+00 : f32
        %broadcast_in_dim3A_96 = vector.broadcast %broadcast_in_dim3A_95 : f32 to vector<16xf32>
        %broadcast_in_dim3A_97 = arith.constant 0.000000e+00 : f32
        %broadcast_in_dim3A_98 = vector.broadcast %broadcast_in_dim3A_97 : f32 to vector<16xf32>
        %broadcast_in_dim3A_99 = arith.constant 0.000000e+00 : f32
        %broadcast_in_dim3A_100 = vector.broadcast %broadcast_in_dim3A_99 : f32 to vector<16xf32>
        %broadcast_in_dim3A_101 = arith.constant 0.000000e+00 : f32
        %broadcast_in_dim3A_102 = vector.broadcast %broadcast_in_dim3A_101 : f32 to vector<16xf32>
        %broadcast_in_dim3A_103 = arith.constant 0.000000e+00 : f32
        %broadcast_in_dim3A_104 = vector.broadcast %broadcast_in_dim3A_103 : f32 to vector<16xf32>
        %broadcast_in_dim3A_105 = arith.constant 0.000000e+00 : f32
        %broadcast_in_dim3A_106 = vector.broadcast %broadcast_in_dim3A_105 : f32 to vector<16xf32>
        %scan3A_107 = arith.constant 0 : i32
        %scan3A_108 = arith.constant 32 : i32
        %scan3A_109 = arith.addi %scan3A_107, %scan3A_108 : i32
        %scan3A_110 = arith.constant 1 : i32
        %scan3A_111:16 = scf.for %scan3A_192 = %scan3A_107 to %scan3A_109 step %scan3A_110 iter_args(%scan3A_193 = %broadcast_in_dim3A_76, %scan3A_194 = %broadcast_in_dim3A_78, %scan3A_195 = %broadcast_in_dim3A_80, %scan3A_196 = %broadcast_in_dim3A_82, %scan3A_197 = %broadcast_in_dim3A_84, %scan3A_198 = %broadcast_in_dim3A_86, %scan3A_199 = %broadcast_in_dim3A_88, %scan3A_200 = %broadcast_in_dim3A_90, %scan3A_201 = %broadcast_in_dim3A_92, %scan3A_202 = %broadcast_in_dim3A_94, %scan3A_203 = %broadcast_in_dim3A_96, %scan3A_204 = %broadcast_in_dim3A_98, %scan3A_205 = %broadcast_in_dim3A_100, %scan3A_206 = %broadcast_in_dim3A_102, %scan3A_207 = %broadcast_in_dim3A_104, %scan3A_208 = %broadcast_in_dim3A_106) -> (vector<16xf32>, vector<16xf32>, vector<16xf32>, vector<16xf32>, vector<16xf32>, vector<16xf32>, vector<16xf32>, vector<16xf32>, vector<16xf32>, vector<16xf32>, vector<16xf32>, vector<16xf32>, vector<16xf32>, vector<16xf32>, vector<16xf32>, vector<16xf32>)  : i32 {
          %mul3A_209 = arith.constant 32 : i32
          %mul3A_210 = arith.muli %scan3A_75, %mul3A_209 : i32
          %add3A_211 = arith.addi %mul3A_210, %scan3A_192 : i32
          %get3A = arith.index_cast %add3A_211 : i32 to index
          %get3A_212 = arith.constant 0 : index
          %get3A_213 = tpu.vector_load %arg12[%get3A, %get3A_212] {strides = array<i32>} : memref<128x128xf32, #tpu.memory_space<vmem>>, vector<1x16xf32>,
          %get3A_214 = vector.shape_cast %get3A_213 : vector<1x16xf32> to vector<16xf32>
          %add3A_215 = arith.addf %scan3A_193, %get3A_214 : vector<16xf32>
          %get3A_216 = arith.index_cast %add3A_211 : i32 to index
          %get3A_217 = arith.constant 16 : index
          %get3A_218 = tpu.vector_load %arg12[%get3A_216, %get3A_217] {strides = array<i32>} : memref<128x128xf32, #tpu.memory_space<vmem>>, vector<1x16xf32>,
          %get3A_219 = vector.shape_cast %get3A_218 : vector<1x16xf32> to vector<16xf32>
          %add3A_220 = arith.addf %scan3A_194, %get3A_219 : vector<16xf32>
          %get3A_221 = arith.index_cast %add3A_211 : i32 to index
          %get3A_222 = arith.constant 32 : index
          %get3A_223 = tpu.vector_load %arg12[%get3A_221, %get3A_222] {strides = array<i32>} : memref<128x128xf32, #tpu.memory_space<vmem>>, vector<1x16xf32>,
          %get3A_224 = vector.shape_cast %get3A_223 : vector<1x16xf32> to vector<16xf32>
          %add3A_225 = arith.addf %scan3A_195, %get3A_224 : vector<16xf32>
          %get3A_226 = arith.index_cast %add3A_211 : i32 to index
          %get3A_227 = arith.constant 48 : index
          %get3A_228 = tpu.vector_load %arg12[%get3A_226, %get3A_227] {strides = array<i32>} : memref<128x128xf32, #tpu.memory_space<vmem>>, vector<1x16xf32>,
          %get3A_229 = vector.shape_cast %get3A_228 : vector<1x16xf32> to vector<16xf32>
          %add3A_230 = arith.addf %scan3A_196, %get3A_229 : vector<16xf32>
          %get3A_231 = arith.index_cast %add3A_211 : i32 to index
          %get3A_232 = arith.constant 64 : index
          %get3A_233 = tpu.vector_load %arg12[%get3A_231, %get3A_232] {strides = array<i32>} : memref<128x128xf32, #tpu.memory_space<vmem>>, vector<1x16xf32>,
          %get3A_234 = vector.shape_cast %get3A_233 : vector<1x16xf32> to vector<16xf32>
          %add3A_235 = arith.addf %scan3A_197, %get3A_234 : vector<16xf32>
          %get3A_236 = arith.index_cast %add3A_211 : i32 to index
          %get3A_237 = arith.constant 80 : index
          %get3A_238 = tpu.vector_load %arg12[%get3A_236, %get3A_237] {strides = array<i32>} : memref<128x128xf32, #tpu.memory_space<vmem>>, vector<1x16xf32>,
          %get3A_239 = vector.shape_cast %get3A_238 : vector<1x16xf32> to vector<16xf32>
          %add3A_240 = arith.addf %scan3A_198, %get3A_239 : vector<16xf32>
          %get3A_241 = arith.index_cast %add3A_211 : i32 to index
          %get3A_242 = arith.constant 96 : index
          %get3A_243 = tpu.vector_load %arg12[%get3A_241, %get3A_242] {strides = array<i32>} : memref<128x128xf32, #tpu.memory_space<vmem>>, vector<1x16xf32>,
          %get3A_244 = vector.shape_cast %get3A_243 : vector<1x16xf32> to vector<16xf32>
          %add3A_245 = arith.addf %scan3A_199, %get3A_244 : vector<16xf32>
          %get3A_246 = arith.index_cast %add3A_211 : i32 to index
          %get3A_247 = arith.constant 112 : index
          %get3A_248 = tpu.vector_load %arg12[%get3A_246, %get3A_247] {strides = array<i32>} : memref<128x128xf32, #tpu.memory_space<vmem>>, vector<1x16xf32>,
          %get3A_249 = vector.shape_cast %get3A_248 : vector<1x16xf32> to vector<16xf32>
          %add3A_250 = arith.addf %scan3A_200, %get3A_249 : vector<16xf32>
          %get3A_251 = arith.index_cast %add3A_211 : i32 to index
          %get3A_252 = arith.constant 0 : index
          %get3A_253 = tpu.vector_load %arg14[%get3A_251, %get3A_252] {strides = array<i32>} : memref<128x128xf32, #tpu.memory_space<vmem>>, vector<1x16xf32>,
          %get3A_254 = vector.shape_cast %get3A_253 : vector<1x16xf32> to vector<16xf32>
          %add3A_255 = arith.addf %scan3A_201, %get3A_254 : vector<16xf32>
          %get3A_256 = arith.index_cast %add3A_211 : i32 to index
          %get3A_257 = arith.constant 16 : index
          %get3A_258 = tpu.vector_load %arg14[%get3A_256, %get3A_257] {strides = array<i32>} : memref<128x128xf32, #tpu.memory_space<vmem>>, vector<1x16xf32>,
          %get3A_259 = vector.shape_cast %get3A_258 : vector<1x16xf32> to vector<16xf32>
          %add3A_260 = arith.addf %scan3A_202, %get3A_259 : vector<16xf32>
          %get3A_261 = arith.index_cast %add3A_211 : i32 to index
          %get3A_262 = arith.constant 32 : index
          %get3A_263 = tpu.vector_load %arg14[%get3A_261, %get3A_262] {strides = array<i32>} : memref<128x128xf32, #tpu.memory_space<vmem>>, vector<1x16xf32>,
          %get3A_264 = vector.shape_cast %get3A_263 : vector<1x16xf32> to vector<16xf32>
          %add3A_265 = arith.addf %scan3A_203, %get3A_264 : vector<16xf32>
          %get3A_266 = arith.index_cast %add3A_211 : i32 to index
          %get3A_267 = arith.constant 48 : index
          %get3A_268 = tpu.vector_load %arg14[%get3A_266, %get3A_267] {strides = array<i32>} : memref<128x128xf32, #tpu.memory_space<vmem>>, vector<1x16xf32>,
          %get3A_269 = vector.shape_cast %get3A_268 : vector<1x16xf32> to vector<16xf32>
          %add3A_270 = arith.addf %scan3A_204, %get3A_269 : vector<16xf32>
          %get3A_271 = arith.index_cast %add3A_211 : i32 to index
          %get3A_272 = arith.constant 64 : index
          %get3A_273 = tpu.vector_load %arg14[%get3A_271, %get3A_272] {strides = array<i32>} : memref<128x128xf32, #tpu.memory_space<vmem>>, vector<1x16xf32>,
          %get3A_274 = vector.shape_cast %get3A_273 : vector<1x16xf32> to vector<16xf32>
          %add3A_275 = arith.addf %scan3A_205, %get3A_274 : vector<16xf32>
          %get3A_276 = arith.index_cast %add3A_211 : i32 to index
          %get3A_277 = arith.constant 80 : index
          %get3A_278 = tpu.vector_load %arg14[%get3A_276, %get3A_277] {strides = array<i32>} : memref<128x128xf32, #tpu.memory_space<vmem>>, vector<1x16xf32>,
          %get3A_279 = vector.shape_cast %get3A_278 : vector<1x16xf32> to vector<16xf32>
          %add3A_280 = arith.addf %scan3A_206, %get3A_279 : vector<16xf32>
          %get3A_281 = arith.index_cast %add3A_211 : i32 to index
          %get3A_282 = arith.constant 96 : index
          %get3A_283 = tpu.vector_load %arg14[%get3A_281, %get3A_282] {strides = array<i32>} : memref<128x128xf32, #tpu.memory_space<vmem>>, vector<1x16xf32>,
          %get3A_284 = vector.shape_cast %get3A_283 : vector<1x16xf32> to vector<16xf32>
          %add3A_285 = arith.addf %scan3A_207, %get3A_284 : vector<16xf32>
          %get3A_286 = arith.index_cast %add3A_211 : i32 to index
          %get3A_287 = arith.constant 112 : index
          %get3A_288 = tpu.vector_load %arg14[%get3A_286, %get3A_287] {strides = array<i32>} : memref<128x128xf32, #tpu.memory_space<vmem>>, vector<1x16xf32>,
          %get3A_289 = vector.shape_cast %get3A_288 : vector<1x16xf32> to vector<16xf32>
          %add3A_290 = arith.addf %scan3A_208, %get3A_289 : vector<16xf32>
          scf.yield %add3A_215, %add3A_220, %add3A_225, %add3A_230, %add3A_235, %add3A_240, %add3A_245, %add3A_250, %add3A_255, %add3A_260, %add3A_265, %add3A_270, %add3A_275, %add3A_280, %add3A_285, %add3A_290 : vector<16xf32>, vector<16xf32>, vector<16xf32>, vector<16xf32>, vector<16xf32>, vector<16xf32>, vector<16xf32>, vector<16xf32>, vector<16xf32>, vector<16xf32>, vector<16xf32>, vector<16xf32>, vector<16xf32>, vector<16xf32>, vector<16xf32>, vector<16xf32>
        }
        %scan3A_112 = arith.constant 32 : i32
        %swap3A = arith.index_cast %scan3A_75 : i32 to index
        %swap3A_113 = arith.constant 0 : index
        %swap3A_114 = tpu.vector_load %arg16[%swap3A, %swap3A_113] {strides = array<i32>} : memref<4x128xf32, #tpu.memory_space<vmem>>, vector<1x16xf32>,
        %swap3A_115 = vector.shape_cast %swap3A_114 : vector<1x16xf32> to vector<16xf32>
        %swap3A_116 = vector.shape_cast %scan3A_111#0 : vector<16xf32> to vector<1x16xf32>
        tpu.vector_store %arg16[%swap3A, %swap3A_113], %swap3A_116 {strides = array<i32>} : memref<4x128xf32, #tpu.memory_space<vmem>>, vector<1x16xf32>,
        %swap3A_117 = arith.index_cast %scan3A_75 : i32 to index
        %swap3A_118 = arith.constant 0 : index
        %swap3A_119 = tpu.vector_load %arg17[%swap3A_117, %swap3A_118] {strides = array<i32>} : memref<4x128xf32, #tpu.memory_space<vmem>>, vector<1x16xf32>,
        %swap3A_120 = vector.shape_cast %swap3A_119 : vector<1x16xf32> to vector<16xf32>
        %swap3A_121 = vector.shape_cast %scan3A_111#8 : vector<16xf32> to vector<1x16xf32>
        tpu.vector_store %arg17[%swap3A_117, %swap3A_118], %swap3A_121 {strides = array<i32>} : memref<4x128xf32, #tpu.memory_space<vmem>>, vector<1x16xf32>,
        %swap3A_122 = arith.index_cast %scan3A_75 : i32 to index
        %swap3A_123 = arith.constant 16 : index
        %swap3A_124 = tpu.vector_load %arg16[%swap3A_122, %swap3A_123] {strides = array<i32>} : memref<4x128xf32, #tpu.memory_space<vmem>>, vector<1x16xf32>,
        %swap3A_125 = vector.shape_cast %swap3A_124 : vector<1x16xf32> to vector<16xf32>
        %swap3A_126 = vector.shape_cast %scan3A_111#1 : vector<16xf32> to vector<1x16xf32>
        tpu.vector_store %arg16[%swap3A_122, %swap3A_123], %swap3A_126 {strides = array<i32>} : memref<4x128xf32, #tpu.memory_space<vmem>>, vector<1x16xf32>,
        %swap3A_127 = arith.index_cast %scan3A_75 : i32 to index
        %swap3A_128 = arith.constant 16 : index
        %swap3A_129 = tpu.vector_load %arg17[%swap3A_127, %swap3A_128] {strides = array<i32>} : memref<4x128xf32, #tpu.memory_space<vmem>>, vector<1x16xf32>,
        %swap3A_130 = vector.shape_cast %swap3A_129 : vector<1x16xf32> to vector<16xf32>
        %swap3A_131 = vector.shape_cast %scan3A_111#9 : vector<16xf32> to vector<1x16xf32>
        tpu.vector_store %arg17[%swap3A_127, %swap3A_128], %swap3A_131 {strides = array<i32>} : memref<4x128xf32, #tpu.memory_space<vmem>>, vector<1x16xf32>,
        %swap3A_132 = arith.index_cast %scan3A_75 : i32 to index
        %swap3A_133 = arith.constant 32 : index
        %swap3A_134 = tpu.vector_load %arg16[%swap3A_132, %swap3A_133] {strides = array<i32>} : memref<4x128xf32, #tpu.memory_space<vmem>>, vector<1x16xf32>,
        %swap3A_135 = vector.shape_cast %swap3A_134 : vector<1x16xf32> to vector<16xf32>
        %swap3A_136 = vector.shape_cast %scan3A_111#2 : vector<16xf32> to vector<1x16xf32>
        tpu.vector_store %arg16[%swap3A_132, %swap3A_133], %swap3A_136 {strides = array<i32>} : memref<4x128xf32, #tpu.memory_space<vmem>>, vector<1x16xf32>,
        %swap3A_137 = arith.index_cast %scan3A_75 : i32 to index
        %swap3A_138 = arith.constant 32 : index
        %swap3A_139 = tpu.vector_load %arg17[%swap3A_137, %swap3A_138] {strides = array<i32>} : memref<4x128xf32, #tpu.memory_space<vmem>>, vector<1x16xf32>,
        %swap3A_140 = vector.shape_cast %swap3A_139 : vector<1x16xf32> to vector<16xf32>
        %swap3A_141 = vector.shape_cast %scan3A_111#10 : vector<16xf32> to vector<1x16xf32>
        tpu.vector_store %arg17[%swap3A_137, %swap3A_138], %swap3A_141 {strides = array<i32>} : memref<4x128xf32, #tpu.memory_space<vmem>>, vector<1x16xf32>,
        %swap3A_142 = arith.index_cast %scan3A_75 : i32 to index
        %swap3A_143 = arith.constant 48 : index
        %swap3A_144 = tpu.vector_load %arg16[%swap3A_142, %swap3A_143] {strides = array<i32>} : memref<4x128xf32, #tpu.memory_space<vmem>>, vector<1x16xf32>,
        %swap3A_145 = vector.shape_cast %swap3A_144 : vector<1x16xf32> to vector<16xf32>
        %swap3A_146 = vector.shape_cast %scan3A_111#3 : vector<16xf32> to vector<1x16xf32>
        tpu.vector_store %arg16[%swap3A_142, %swap3A_143], %swap3A_146 {strides = array<i32>} : memref<4x128xf32, #tpu.memory_space<vmem>>, vector<1x16xf32>,
        %swap3A_147 = arith.index_cast %scan3A_75 : i32 to index
        %swap3A_148 = arith.constant 48 : index
        %swap3A_149 = tpu.vector_load %arg17[%swap3A_147, %swap3A_148] {strides = array<i32>} : memref<4x128xf32, #tpu.memory_space<vmem>>, vector<1x16xf32>,
        %swap3A_150 = vector.shape_cast %swap3A_149 : vector<1x16xf32> to vector<16xf32>
        %swap3A_151 = vector.shape_cast %scan3A_111#11 : vector<16xf32> to vector<1x16xf32>
        tpu.vector_store %arg17[%swap3A_147, %swap3A_148], %swap3A_151 {strides = array<i32>} : memref<4x128xf32, #tpu.memory_space<vmem>>, vector<1x16xf32>,
        %swap3A_152 = arith.index_cast %scan3A_75 : i32 to index
        %swap3A_153 = arith.constant 64 : index
        %swap3A_154 = tpu.vector_load %arg16[%swap3A_152, %swap3A_153] {strides = array<i32>} : memref<4x128xf32, #tpu.memory_space<vmem>>, vector<1x16xf32>,
        %swap3A_155 = vector.shape_cast %swap3A_154 : vector<1x16xf32> to vector<16xf32>
        %swap3A_156 = vector.shape_cast %scan3A_111#4 : vector<16xf32> to vector<1x16xf32>
        tpu.vector_store %arg16[%swap3A_152, %swap3A_153], %swap3A_156 {strides = array<i32>} : memref<4x128xf32, #tpu.memory_space<vmem>>, vector<1x16xf32>,
        %swap3A_157 = arith.index_cast %scan3A_75 : i32 to index
        %swap3A_158 = arith.constant 64 : index
        %swap3A_159 = tpu.vector_load %arg17[%swap3A_157, %swap3A_158] {strides = array<i32>} : memref<4x128xf32, #tpu.memory_space<vmem>>, vector<1x16xf32>,
        %swap3A_160 = vector.shape_cast %swap3A_159 : vector<1x16xf32> to vector<16xf32>
        %swap3A_161 = vector.shape_cast %scan3A_111#12 : vector<16xf32> to vector<1x16xf32>
        tpu.vector_store %arg17[%swap3A_157, %swap3A_158], %swap3A_161 {strides = array<i32>} : memref<4x128xf32, #tpu.memory_space<vmem>>, vector<1x16xf32>,
        %swap3A_162 = arith.index_cast %scan3A_75 : i32 to index
        %swap3A_163 = arith.constant 80 : index
        %swap3A_164 = tpu.vector_load %arg16[%swap3A_162, %swap3A_163] {strides = array<i32>} : memref<4x128xf32, #tpu.memory_space<vmem>>, vector<1x16xf32>,
        %swap3A_165 = vector.shape_cast %swap3A_164 : vector<1x16xf32> to vector<16xf32>
        %swap3A_166 = vector.shape_cast %scan3A_111#5 : vector<16xf32> to vector<1x16xf32>
        tpu.vector_store %arg16[%swap3A_162, %swap3A_163], %swap3A_166 {strides = array<i32>} : memref<4x128xf32, #tpu.memory_space<vmem>>, vector<1x16xf32>,
        %swap3A_167 = arith.index_cast %scan3A_75 : i32 to index
        %swap3A_168 = arith.constant 80 : index
        %swap3A_169 = tpu.vector_load %arg17[%swap3A_167, %swap3A_168] {strides = array<i32>} : memref<4x128xf32, #tpu.memory_space<vmem>>, vector<1x16xf32>,
        %swap3A_170 = vector.shape_cast %swap3A_169 : vector<1x16xf32> to vector<16xf32>
        %swap3A_171 = vector.shape_cast %scan3A_111#13 : vector<16xf32> to vector<1x16xf32>
        tpu.vector_store %arg17[%swap3A_167, %swap3A_168], %swap3A_171 {strides = array<i32>} : memref<4x128xf32, #tpu.memory_space<vmem>>, vector<1x16xf32>,
        %swap3A_172 = arith.index_cast %scan3A_75 : i32 to index
        %swap3A_173 = arith.constant 96 : index
        %swap3A_174 = tpu.vector_load %arg16[%swap3A_172, %swap3A_173] {strides = array<i32>} : memref<4x128xf32, #tpu.memory_space<vmem>>, vector<1x16xf32>,
        %swap3A_175 = vector.shape_cast %swap3A_174 : vector<1x16xf32> to vector<16xf32>
        %swap3A_176 = vector.shape_cast %scan3A_111#6 : vector<16xf32> to vector<1x16xf32>
        tpu.vector_store %arg16[%swap3A_172, %swap3A_173], %swap3A_176 {strides = array<i32>} : memref<4x128xf32, #tpu.memory_space<vmem>>, vector<1x16xf32>,
        %swap3A_177 = arith.index_cast %scan3A_75 : i32 to index
        %swap3A_178 = arith.constant 96 : index
        %swap3A_179 = tpu.vector_load %arg17[%swap3A_177, %swap3A_178] {strides = array<i32>} : memref<4x128xf32, #tpu.memory_space<vmem>>, vector<1x16xf32>,
        %swap3A_180 = vector.shape_cast %swap3A_179 : vector<1x16xf32> to vector<16xf32>
        %swap3A_181 = vector.shape_cast %scan3A_111#14 : vector<16xf32> to vector<1x16xf32>
        tpu.vector_store %arg17[%swap3A_177, %swap3A_178], %swap3A_181 {strides = array<i32>} : memref<4x128xf32, #tpu.memory_space<vmem>>, vector<1x16xf32>,
        %swap3A_182 = arith.index_cast %scan3A_75 : i32 to index
        %swap3A_183 = arith.constant 112 : index
        %swap3A_184 = tpu.vector_load %arg16[%swap3A_182, %swap3A_183] {strides = array<i32>} : memref<4x128xf32, #tpu.memory_space<vmem>>, vector<1x16xf32>,
        %swap3A_185 = vector.shape_cast %swap3A_184 : vector<1x16xf32> to vector<16xf32>
        %swap3A_186 = vector.shape_cast %scan3A_111#7 : vector<16xf32> to vector<1x16xf32>
        tpu.vector_store %arg16[%swap3A_182, %swap3A_183], %swap3A_186 {strides = array<i32>} : memref<4x128xf32, #tpu.memory_space<vmem>>, vector<1x16xf32>,
        %swap3A_187 = arith.index_cast %scan3A_75 : i32 to index
        %swap3A_188 = arith.constant 112 : index
        %swap3A_189 = tpu.vector_load %arg17[%swap3A_187, %swap3A_188] {strides = array<i32>} : memref<4x128xf32, #tpu.memory_space<vmem>>, vector<1x16xf32>,
        %swap3A_190 = vector.shape_cast %swap3A_189 : vector<1x16xf32> to vector<16xf32>
        %swap3A_191 = vector.shape_cast %scan3A_111#15 : vector<16xf32> to vector<1x16xf32>
        tpu.vector_store %arg17[%swap3A_187, %swap3A_188], %swap3A_191 {strides = array<i32>} : memref<4x128xf32, #tpu.memory_space<vmem>>, vector<1x16xf32>,
      }
      %scan3A_44 = arith.constant 4 : i32
      %mul3A_45 = arith.constant 4 : i32
      %mul3A_46 = arith.muli %add3A_23, %mul3A_45 : i32
      %add3A_47 = arith.addi %mul3A_4, %mul3A_46 : i32
      "tpu.region"() ({
        %run_scoped3A = tpu.sem_alloc : memref<!tpu.dma_semaphore, #tpu.memory_space<semaphore_mem>>
        %dma_start3A_75 = arith.constant 0 : i32
        %dma_start3A_76 = tpu.memref_slice %arg6[%add3A_47, %dma_start3A_75] : memref<10240x128xf32, #tpu.memory_space<hbm>> -> memref<4x128xf32, #tpu.memory_space<hbm>>
        %dma_start3A_77 = arith.constant 0 : i32
        %dma_start3A_78 = tpu.memref_slice %arg6[%add3A_47, %dma_start3A_77] : memref<10240x128xf32, #tpu.memory_space<hbm>> -> memref<4x128xf32, #tpu.memory_space<hbm>>
        tpu.enqueue_dma source(%arg16 : memref<4x128xf32, #tpu.memory_space<vmem>>) target(%dma_start3A_78 : memref<4x128xf32, #tpu.memory_space<hbm>>) target_semaphore(%run_scoped3A : memref<!tpu.dma_semaphore, #tpu.memory_space<semaphore_mem>>)
        %dma_wait3A_79 = arith.constant 0 : i32
        %dma_wait3A_80 = tpu.memref_slice %arg6[%add3A_47, %dma_wait3A_79] : memref<10240x128xf32, #tpu.memory_space<hbm>> -> memref<4x128xf32, #tpu.memory_space<hbm>>
        %dma_wait3A_81 = arith.constant 0 : i32
        %dma_wait3A_82 = tpu.memref_slice %arg6[%add3A_47, %dma_wait3A_81] : memref<10240x128xf32, #tpu.memory_space<hbm>> -> memref<4x128xf32, #tpu.memory_space<hbm>>
        tpu.wait_dma2 semaphore(%run_scoped3A : memref<!tpu.dma_semaphore, #tpu.memory_space<semaphore_mem>>) src(%arg16 : memref<4x128xf32, #tpu.memory_space<vmem>>) dst(%dma_wait3A_82 : memref<4x128xf32, #tpu.memory_space<hbm>>)
        tpu.yield
      }) : () -> ()
      %mul3A_48 = arith.constant 4 : i32
      %mul3A_49 = arith.muli %add3A_23, %mul3A_48 : i32
      %add3A_50 = arith.addi %mul3A_4, %mul3A_49 : i32
      "tpu.region"() ({
        %run_scoped3A = tpu.sem_alloc : memref<!tpu.dma_semaphore, #tpu.memory_space<semaphore_mem>>
        %dma_start3A_75 = arith.constant 0 : i32
        %dma_start3A_76 = tpu.memref_slice %arg7[%add3A_50, %dma_start3A_75] : memref<10240x128xf32, #tpu.memory_space<hbm>> -> memref<4x128xf32, #tpu.memory_space<hbm>>
        %dma_start3A_77 = arith.constant 0 : i32
        %dma_start3A_78 = tpu.memref_slice %arg7[%add3A_50, %dma_start3A_77] : memref<10240x128xf32, #tpu.memory_space<hbm>> -> memref<4x128xf32, #tpu.memory_space<hbm>>
        tpu.enqueue_dma source(%arg17 : memref<4x128xf32, #tpu.memory_space<vmem>>) target(%dma_start3A_78 : memref<4x128xf32, #tpu.memory_space<hbm>>) target_semaphore(%run_scoped3A : memref<!tpu.dma_semaphore, #tpu.memory_space<semaphore_mem>>)
        %dma_wait3A_79 = arith.constant 0 : i32
        %dma_wait3A_80 = tpu.memref_slice %arg7[%add3A_50, %dma_wait3A_79] : memref<10240x128xf32, #tpu.memory_space<hbm>> -> memref<4x128xf32, #tpu.memory_space<hbm>>
        %dma_wait3A_81 = arith.constant 0 : i32
        %dma_wait3A_82 = tpu.memref_slice %arg7[%add3A_50, %dma_wait3A_81] : memref<10240x128xf32, #tpu.memory_space<hbm>> -> memref<4x128xf32, #tpu.memory_space<hbm>>
        tpu.wait_dma2 semaphore(%run_scoped3A : memref<!tpu.dma_semaphore, #tpu.memory_space<semaphore_mem>>) src(%arg17 : memref<4x128xf32, #tpu.memory_space<vmem>>) dst(%dma_wait3A_82 : memref<4x128xf32, #tpu.memory_space<hbm>>)
        tpu.yield
      }) : () -> ()
      %mul3A_51 = arith.constant 2 : i32
      %mul3A_52 = arith.muli %mul3A_51, %scan3A_19 : i32
      %add3A_53 = arith.constant 1 : i32
      %add3A_54 = arith.addi %mul3A_52, %add3A_53 : i32
      %lt3A = arith.constant 39 : i32
      %lt3A_55 = arith.cmpi slt, %scan3A_19, %lt3A : i32
      %convert_element_type3A = arith.extui %lt3A_55 : i1 to i32
      %cond3A = arith.constant 0 : i32
      %cond3A_56 = arith.cmpi ne, %convert_element_type3A, %cond3A : i32
      scf.if %cond3A_56 {
        %add3A_75 = arith.constant 1 : i32
        %add3A_76 = arith.addi %add3A_54, %add3A_75 : i32
        %add3A_77 = arith.addi %mul3A_2, %add3A_76 : i32
        "tpu.region"() ({
          %run_scoped3A = tpu.sem_alloc : memref<!tpu.dma_semaphore, #tpu.memory_space<semaphore_mem>>
          %dma_start3A_85 = arith.constant 0 : i32
          %dma_start3A_86 = tpu.memref_slice %arg4[%add3A_77, %dma_start3A_85] : memref<2560x128xi32, #tpu.memory_space<hbm>> -> memref<1x128xi32, #tpu.memory_space<hbm>>
          %dma_start3A_87 = tpu.memref_squeeze %dma_start3A_86 : memref<1x128xi32, #tpu.memory_space<hbm>> -> memref<128xi32, #tpu.memory_space<hbm>>
          %dma_start3A_88 = arith.constant 0 : i32
          %dma_start3A_89 = tpu.memref_slice %arg4[%add3A_77, %dma_start3A_88] : memref<2560x128xi32, #tpu.memory_space<hbm>> -> memref<1x128xi32, #tpu.memory_space<hbm>>
          %dma_start3A_90 = tpu.memref_squeeze %dma_start3A_89 : memref<1x128xi32, #tpu.memory_space<hbm>> -> memref<128xi32, #tpu.memory_space<hbm>>
          tpu.enqueue_dma source(%dma_start3A_90 : memref<128xi32, #tpu.memory_space<hbm>>) target(%arg8 : memref<128xi32, #tpu.memory_space<vmem>>) target_semaphore(%run_scoped3A : memref<!tpu.dma_semaphore, #tpu.memory_space<semaphore_mem>>)
          %dma_wait3A_91 = arith.constant 0 : i32
          %dma_wait3A_92 = tpu.memref_slice %arg4[%add3A_77, %dma_wait3A_91] : memref<2560x128xi32, #tpu.memory_space<hbm>> -> memref<1x128xi32, #tpu.memory_space<hbm>>
          %dma_wait3A_93 = tpu.memref_squeeze %dma_wait3A_92 : memref<1x128xi32, #tpu.memory_space<hbm>> -> memref<128xi32, #tpu.memory_space<hbm>>
          %dma_wait3A_94 = arith.constant 0 : i32
          %dma_wait3A_95 = tpu.memref_slice %arg4[%add3A_77, %dma_wait3A_94] : memref<2560x128xi32, #tpu.memory_space<hbm>> -> memref<1x128xi32, #tpu.memory_space<hbm>>
          %dma_wait3A_96 = tpu.memref_squeeze %dma_wait3A_95 : memref<1x128xi32, #tpu.memory_space<hbm>> -> memref<128xi32, #tpu.memory_space<hbm>>
          tpu.wait_dma2 semaphore(%run_scoped3A : memref<!tpu.dma_semaphore, #tpu.memory_space<semaphore_mem>>) src(%dma_wait3A_96 : memref<128xi32, #tpu.memory_space<hbm>>) dst(%arg8 : memref<128xi32, #tpu.memory_space<vmem>>)
          tpu.yield
        }) : () -> ()
        %add3A_78 = arith.addi %mul3A_2, %add3A_76 : i32
        "tpu.region"() ({
          %run_scoped3A = tpu.sem_alloc : memref<!tpu.dma_semaphore, #tpu.memory_space<semaphore_mem>>
          %dma_start3A_85 = arith.constant 0 : i32
          %dma_start3A_86 = tpu.memref_slice %arg5[%add3A_78, %dma_start3A_85] : memref<2560x128xi32, #tpu.memory_space<hbm>> -> memref<1x128xi32, #tpu.memory_space<hbm>>
          %dma_start3A_87 = tpu.memref_squeeze %dma_start3A_86 : memref<1x128xi32, #tpu.memory_space<hbm>> -> memref<128xi32, #tpu.memory_space<hbm>>
          %dma_start3A_88 = arith.constant 0 : i32
          %dma_start3A_89 = tpu.memref_slice %arg5[%add3A_78, %dma_start3A_88] : memref<2560x128xi32, #tpu.memory_space<hbm>> -> memref<1x128xi32, #tpu.memory_space<hbm>>
          %dma_start3A_90 = tpu.memref_squeeze %dma_start3A_89 : memref<1x128xi32, #tpu.memory_space<hbm>> -> memref<128xi32, #tpu.memory_space<hbm>>
          tpu.enqueue_dma source(%dma_start3A_90 : memref<128xi32, #tpu.memory_space<hbm>>) target(%arg10 : memref<128xi32, #tpu.memory_space<vmem>>) target_semaphore(%run_scoped3A : memref<!tpu.dma_semaphore, #tpu.memory_space<semaphore_mem>>)
          %dma_wait3A_91 = arith.constant 0 : i32
          %dma_wait3A_92 = tpu.memref_slice %arg5[%add3A_78, %dma_wait3A_91] : memref<2560x128xi32, #tpu.memory_space<hbm>> -> memref<1x128xi32, #tpu.memory_space<hbm>>
          %dma_wait3A_93 = tpu.memref_squeeze %dma_wait3A_92 : memref<1x128xi32, #tpu.memory_space<hbm>> -> memref<128xi32, #tpu.memory_space<hbm>>
          %dma_wait3A_94 = arith.constant 0 : i32
          %dma_wait3A_95 = tpu.memref_slice %arg5[%add3A_78, %dma_wait3A_94] : memref<2560x128xi32, #tpu.memory_space<hbm>> -> memref<1x128xi32, #tpu.memory_space<hbm>>
          %dma_wait3A_96 = tpu.memref_squeeze %dma_wait3A_95 : memref<1x128xi32, #tpu.memory_space<hbm>> -> memref<128xi32, #tpu.memory_space<hbm>>
          tpu.wait_dma2 semaphore(%run_scoped3A : memref<!tpu.dma_semaphore, #tpu.memory_space<semaphore_mem>>) src(%dma_wait3A_96 : memref<128xi32, #tpu.memory_space<hbm>>) dst(%arg10 : memref<128xi32, #tpu.memory_space<vmem>>)
          tpu.yield
        }) : () -> ()
        %dma_start3A_79 = arith.constant 0 : i32
        %dma_start3A_80 = arith.constant 0 : i32
        %dma_start3A_81 = tpu.memref_slice %arg2[%dma_start3A_79, %dma_start3A_80] : memref<10000x128xf32, #tpu.memory_space<hbm>> -> memref<10000x128xf32, #tpu.memory_space<hbm>>
        tpu.enqueue_indirect_dma source(%dma_start3A_81 : memref<10000x128xf32, #tpu.memory_space<hbm>>) target(%arg12 : memref<128x128xf32, #tpu.memory_space<vmem>>) offsets(%arg8 : memref<128xi32, #tpu.memory_space<vmem>>) semaphore(%arg18 : memref<!tpu.dma_semaphore, #tpu.memory_space<semaphore_mem>>)
        %dma_start3A_82 = arith.constant 0 : i32
        %dma_start3A_83 = arith.constant 0 : i32
        %dma_start3A_84 = tpu.memref_slice %arg3[%dma_start3A_82, %dma_start3A_83] : memref<320000x128xf32, #tpu.memory_space<hbm>> -> memref<320000x128xf32, #tpu.memory_space<hbm>>
        tpu.enqueue_indirect_dma source(%dma_start3A_84 : memref<320000x128xf32, #tpu.memory_space<hbm>>) target(%arg14 : memref<128x128xf32, #tpu.memory_space<vmem>>) offsets(%arg10 : memref<128xi32, #tpu.memory_space<vmem>>) semaphore(%arg20 : memref<!tpu.dma_semaphore, #tpu.memory_space<semaphore_mem>>)
      } else {
      }
      %dma_wait3A_57 = arith.constant 0 : i32
      %dma_wait3A_58 = arith.constant 0 : i32
      %dma_wait3A_59 = tpu.memref_slice %arg2[%dma_wait3A_57, %dma_wait3A_58] : memref<10000x128xf32, #tpu.memory_space<hbm>> -> memref<10000x128xf32, #tpu.memory_space<hbm>>
      tpu.wait_indirect_dma semaphore(%arg19 : memref<!tpu.dma_semaphore, #tpu.memory_space<semaphore_mem>>) src(%dma_wait3A_59 : memref<10000x128xf32, #tpu.memory_space<hbm>>) dst(%arg13 : memref<128x128xf32, #tpu.memory_space<vmem>>)
      %dma_wait3A_60 = arith.constant 0 : i32
      %dma_wait3A_61 = arith.constant 0 : i32
      %dma_wait3A_62 = tpu.memref_slice %arg3[%dma_wait3A_60, %dma_wait3A_61] : memref<320000x128xf32, #tpu.memory_space<hbm>> -> memref<320000x128xf32, #tpu.memory_space<hbm>>
      tpu.wait_indirect_dma semaphore(%arg21 : memref<!tpu.dma_semaphore, #tpu.memory_space<semaphore_mem>>) src(%dma_wait3A_62 : memref<320000x128xf32, #tpu.memory_space<hbm>>) dst(%arg15 : memref<128x128xf32, #tpu.memory_space<vmem>>)
      %scan3A_63 = arith.constant 0 : i32
      %scan3A_64 = arith.constant 0 : i32
      %scan3A_65 = arith.constant 4 : i32
      %scan3A_66 = arith.addi %scan3A_64, %scan3A_65 : i32
      %scan3A_67 = arith.constant 1 : i32
      scf.for %scan3A_75 = %scan3A_64 to %scan3A_66 step %scan3A_67  : i32 {
        %broadcast_in_dim3A = arith.constant 0.000000e+00 : f32
        %broadcast_in_dim3A_76 = vector.broadcast %broadcast_in_dim3A : f32 to vector<16xf32>
        %broadcast_in_dim3A_77 = arith.constant 0.000000e+00 : f32
        %broadcast_in_dim3A_78 = vector.broadcast %broadcast_in_dim3A_77 : f32 to vector<16xf32>
        %broadcast_in_dim3A_79 = arith.constant 0.000000e+00 : f32
        %broadcast_in_dim3A_80 = vector.broadcast %broadcast_in_dim3A_79 : f32 to vector<16xf32>
        %broadcast_in_dim3A_81 = arith.constant 0.000000e+00 : f32
        %broadcast_in_dim3A_82 = vector.broadcast %broadcast_in_dim3A_81 : f32 to vector<16xf32>
        %broadcast_in_dim3A_83 = arith.constant 0.000000e+00 : f32
        %broadcast_in_dim3A_84 = vector.broadcast %broadcast_in_dim3A_83 : f32 to vector<16xf32>
        %broadcast_in_dim3A_85 = arith.constant 0.000000e+00 : f32
        %broadcast_in_dim3A_86 = vector.broadcast %broadcast_in_dim3A_85 : f32 to vector<16xf32>
        %broadcast_in_dim3A_87 = arith.constant 0.000000e+00 : f32
        %broadcast_in_dim3A_88 = vector.broadcast %broadcast_in_dim3A_87 : f32 to vector<16xf32>
        %broadcast_in_dim3A_89 = arith.constant 0.000000e+00 : f32
        %broadcast_in_dim3A_90 = vector.broadcast %broadcast_in_dim3A_89 : f32 to vector<16xf32>
        %broadcast_in_dim3A_91 = arith.constant 0.000000e+00 : f32
        %broadcast_in_dim3A_92 = vector.broadcast %broadcast_in_dim3A_91 : f32 to vector<16xf32>
        %broadcast_in_dim3A_93 = arith.constant 0.000000e+00 : f32
        %broadcast_in_dim3A_94 = vector.broadcast %broadcast_in_dim3A_93 : f32 to vector<16xf32>
        %broadcast_in_dim3A_95 = arith.constant 0.000000e+00 : f32
        %broadcast_in_dim3A_96 = vector.broadcast %broadcast_in_dim3A_95 : f32 to vector<16xf32>
        %broadcast_in_dim3A_97 = arith.constant 0.000000e+00 : f32
        %broadcast_in_dim3A_98 = vector.broadcast %broadcast_in_dim3A_97 : f32 to vector<16xf32>
        %broadcast_in_dim3A_99 = arith.constant 0.000000e+00 : f32
        %broadcast_in_dim3A_100 = vector.broadcast %broadcast_in_dim3A_99 : f32 to vector<16xf32>
        %broadcast_in_dim3A_101 = arith.constant 0.000000e+00 : f32
        %broadcast_in_dim3A_102 = vector.broadcast %broadcast_in_dim3A_101 : f32 to vector<16xf32>
        %broadcast_in_dim3A_103 = arith.constant 0.000000e+00 : f32
        %broadcast_in_dim3A_104 = vector.broadcast %broadcast_in_dim3A_103 : f32 to vector<16xf32>
        %broadcast_in_dim3A_105 = arith.constant 0.000000e+00 : f32
        %broadcast_in_dim3A_106 = vector.broadcast %broadcast_in_dim3A_105 : f32 to vector<16xf32>
        %scan3A_107 = arith.constant 0 : i32
        %scan3A_108 = arith.constant 32 : i32
        %scan3A_109 = arith.addi %scan3A_107, %scan3A_108 : i32
        %scan3A_110 = arith.constant 1 : i32
        %scan3A_111:16 = scf.for %scan3A_192 = %scan3A_107 to %scan3A_109 step %scan3A_110 iter_args(%scan3A_193 = %broadcast_in_dim3A_76, %scan3A_194 = %broadcast_in_dim3A_78, %scan3A_195 = %broadcast_in_dim3A_80, %scan3A_196 = %broadcast_in_dim3A_82, %scan3A_197 = %broadcast_in_dim3A_84, %scan3A_198 = %broadcast_in_dim3A_86, %scan3A_199 = %broadcast_in_dim3A_88, %scan3A_200 = %broadcast_in_dim3A_90, %scan3A_201 = %broadcast_in_dim3A_92, %scan3A_202 = %broadcast_in_dim3A_94, %scan3A_203 = %broadcast_in_dim3A_96, %scan3A_204 = %broadcast_in_dim3A_98, %scan3A_205 = %broadcast_in_dim3A_100, %scan3A_206 = %broadcast_in_dim3A_102, %scan3A_207 = %broadcast_in_dim3A_104, %scan3A_208 = %broadcast_in_dim3A_106) -> (vector<16xf32>, vector<16xf32>, vector<16xf32>, vector<16xf32>, vector<16xf32>, vector<16xf32>, vector<16xf32>, vector<16xf32>, vector<16xf32>, vector<16xf32>, vector<16xf32>, vector<16xf32>, vector<16xf32>, vector<16xf32>, vector<16xf32>, vector<16xf32>)  : i32 {
          %mul3A_209 = arith.constant 32 : i32
          %mul3A_210 = arith.muli %scan3A_75, %mul3A_209 : i32
          %add3A_211 = arith.addi %mul3A_210, %scan3A_192 : i32
          %get3A = arith.index_cast %add3A_211 : i32 to index
          %get3A_212 = arith.constant 0 : index
          %get3A_213 = tpu.vector_load %arg13[%get3A, %get3A_212] {strides = array<i32>} : memref<128x128xf32, #tpu.memory_space<vmem>>, vector<1x16xf32>,
          %get3A_214 = vector.shape_cast %get3A_213 : vector<1x16xf32> to vector<16xf32>
          %add3A_215 = arith.addf %scan3A_193, %get3A_214 : vector<16xf32>
          %get3A_216 = arith.index_cast %add3A_211 : i32 to index
          %get3A_217 = arith.constant 16 : index
          %get3A_218 = tpu.vector_load %arg13[%get3A_216, %get3A_217] {strides = array<i32>} : memref<128x128xf32, #tpu.memory_space<vmem>>, vector<1x16xf32>,
          %get3A_219 = vector.shape_cast %get3A_218 : vector<1x16xf32> to vector<16xf32>
          %add3A_220 = arith.addf %scan3A_194, %get3A_219 : vector<16xf32>
          %get3A_221 = arith.index_cast %add3A_211 : i32 to index
          %get3A_222 = arith.constant 32 : index
          %get3A_223 = tpu.vector_load %arg13[%get3A_221, %get3A_222] {strides = array<i32>} : memref<128x128xf32, #tpu.memory_space<vmem>>, vector<1x16xf32>,
          %get3A_224 = vector.shape_cast %get3A_223 : vector<1x16xf32> to vector<16xf32>
          %add3A_225 = arith.addf %scan3A_195, %get3A_224 : vector<16xf32>
          %get3A_226 = arith.index_cast %add3A_211 : i32 to index
          %get3A_227 = arith.constant 48 : index
          %get3A_228 = tpu.vector_load %arg13[%get3A_226, %get3A_227] {strides = array<i32>} : memref<128x128xf32, #tpu.memory_space<vmem>>, vector<1x16xf32>,
          %get3A_229 = vector.shape_cast %get3A_228 : vector<1x16xf32> to vector<16xf32>
          %add3A_230 = arith.addf %scan3A_196, %get3A_229 : vector<16xf32>
          %get3A_231 = arith.index_cast %add3A_211 : i32 to index
          %get3A_232 = arith.constant 64 : index
          %get3A_233 = tpu.vector_load %arg13[%get3A_231, %get3A_232] {strides = array<i32>} : memref<128x128xf32, #tpu.memory_space<vmem>>, vector<1x16xf32>,
          %get3A_234 = vector.shape_cast %get3A_233 : vector<1x16xf32> to vector<16xf32>
          %add3A_235 = arith.addf %scan3A_197, %get3A_234 : vector<16xf32>
          %get3A_236 = arith.index_cast %add3A_211 : i32 to index
          %get3A_237 = arith.constant 80 : index
          %get3A_238 = tpu.vector_load %arg13[%get3A_236, %get3A_237] {strides = array<i32>} : memref<128x128xf32, #tpu.memory_space<vmem>>, vector<1x16xf32>,
          %get3A_239 = vector.shape_cast %get3A_238 : vector<1x16xf32> to vector<16xf32>
          %add3A_240 = arith.addf %scan3A_198, %get3A_239 : vector<16xf32>
          %get3A_241 = arith.index_cast %add3A_211 : i32 to index
          %get3A_242 = arith.constant 96 : index
          %get3A_243 = tpu.vector_load %arg13[%get3A_241, %get3A_242] {strides = array<i32>} : memref<128x128xf32, #tpu.memory_space<vmem>>, vector<1x16xf32>,
          %get3A_244 = vector.shape_cast %get3A_243 : vector<1x16xf32> to vector<16xf32>
          %add3A_245 = arith.addf %scan3A_199, %get3A_244 : vector<16xf32>
          %get3A_246 = arith.index_cast %add3A_211 : i32 to index
          %get3A_247 = arith.constant 112 : index
          %get3A_248 = tpu.vector_load %arg13[%get3A_246, %get3A_247] {strides = array<i32>} : memref<128x128xf32, #tpu.memory_space<vmem>>, vector<1x16xf32>,
          %get3A_249 = vector.shape_cast %get3A_248 : vector<1x16xf32> to vector<16xf32>
          %add3A_250 = arith.addf %scan3A_200, %get3A_249 : vector<16xf32>
          %get3A_251 = arith.index_cast %add3A_211 : i32 to index
          %get3A_252 = arith.constant 0 : index
          %get3A_253 = tpu.vector_load %arg15[%get3A_251, %get3A_252] {strides = array<i32>} : memref<128x128xf32, #tpu.memory_space<vmem>>, vector<1x16xf32>,
          %get3A_254 = vector.shape_cast %get3A_253 : vector<1x16xf32> to vector<16xf32>
          %add3A_255 = arith.addf %scan3A_201, %get3A_254 : vector<16xf32>
          %get3A_256 = arith.index_cast %add3A_211 : i32 to index
          %get3A_257 = arith.constant 16 : index
          %get3A_258 = tpu.vector_load %arg15[%get3A_256, %get3A_257] {strides = array<i32>} : memref<128x128xf32, #tpu.memory_space<vmem>>, vector<1x16xf32>,
          %get3A_259 = vector.shape_cast %get3A_258 : vector<1x16xf32> to vector<16xf32>
          %add3A_260 = arith.addf %scan3A_202, %get3A_259 : vector<16xf32>
          %get3A_261 = arith.index_cast %add3A_211 : i32 to index
          %get3A_262 = arith.constant 32 : index
          %get3A_263 = tpu.vector_load %arg15[%get3A_261, %get3A_262] {strides = array<i32>} : memref<128x128xf32, #tpu.memory_space<vmem>>, vector<1x16xf32>,
          %get3A_264 = vector.shape_cast %get3A_263 : vector<1x16xf32> to vector<16xf32>
          %add3A_265 = arith.addf %scan3A_203, %get3A_264 : vector<16xf32>
          %get3A_266 = arith.index_cast %add3A_211 : i32 to index
          %get3A_267 = arith.constant 48 : index
          %get3A_268 = tpu.vector_load %arg15[%get3A_266, %get3A_267] {strides = array<i32>} : memref<128x128xf32, #tpu.memory_space<vmem>>, vector<1x16xf32>,
          %get3A_269 = vector.shape_cast %get3A_268 : vector<1x16xf32> to vector<16xf32>
          %add3A_270 = arith.addf %scan3A_204, %get3A_269 : vector<16xf32>
          %get3A_271 = arith.index_cast %add3A_211 : i32 to index
          %get3A_272 = arith.constant 64 : index
          %get3A_273 = tpu.vector_load %arg15[%get3A_271, %get3A_272] {strides = array<i32>} : memref<128x128xf32, #tpu.memory_space<vmem>>, vector<1x16xf32>,
          %get3A_274 = vector.shape_cast %get3A_273 : vector<1x16xf32> to vector<16xf32>
          %add3A_275 = arith.addf %scan3A_205, %get3A_274 : vector<16xf32>
          %get3A_276 = arith.index_cast %add3A_211 : i32 to index
          %get3A_277 = arith.constant 80 : index
          %get3A_278 = tpu.vector_load %arg15[%get3A_276, %get3A_277] {strides = array<i32>} : memref<128x128xf32, #tpu.memory_space<vmem>>, vector<1x16xf32>,
          %get3A_279 = vector.shape_cast %get3A_278 : vector<1x16xf32> to vector<16xf32>
          %add3A_280 = arith.addf %scan3A_206, %get3A_279 : vector<16xf32>
          %get3A_281 = arith.index_cast %add3A_211 : i32 to index
          %get3A_282 = arith.constant 96 : index
          %get3A_283 = tpu.vector_load %arg15[%get3A_281, %get3A_282] {strides = array<i32>} : memref<128x128xf32, #tpu.memory_space<vmem>>, vector<1x16xf32>,
          %get3A_284 = vector.shape_cast %get3A_283 : vector<1x16xf32> to vector<16xf32>
          %add3A_285 = arith.addf %scan3A_207, %get3A_284 : vector<16xf32>
          %get3A_286 = arith.index_cast %add3A_211 : i32 to index
          %get3A_287 = arith.constant 112 : index
          %get3A_288 = tpu.vector_load %arg15[%get3A_286, %get3A_287] {strides = array<i32>} : memref<128x128xf32, #tpu.memory_space<vmem>>, vector<1x16xf32>,
          %get3A_289 = vector.shape_cast %get3A_288 : vector<1x16xf32> to vector<16xf32>
          %add3A_290 = arith.addf %scan3A_208, %get3A_289 : vector<16xf32>
          scf.yield %add3A_215, %add3A_220, %add3A_225, %add3A_230, %add3A_235, %add3A_240, %add3A_245, %add3A_250, %add3A_255, %add3A_260, %add3A_265, %add3A_270, %add3A_275, %add3A_280, %add3A_285, %add3A_290 : vector<16xf32>, vector<16xf32>, vector<16xf32>, vector<16xf32>, vector<16xf32>, vector<16xf32>, vector<16xf32>, vector<16xf32>, vector<16xf32>, vector<16xf32>, vector<16xf32>, vector<16xf32>, vector<16xf32>, vector<16xf32>, vector<16xf32>, vector<16xf32>
        }
        %scan3A_112 = arith.constant 32 : i32
        %swap3A = arith.index_cast %scan3A_75 : i32 to index
        %swap3A_113 = arith.constant 0 : index
        %swap3A_114 = tpu.vector_load %arg16[%swap3A, %swap3A_113] {strides = array<i32>} : memref<4x128xf32, #tpu.memory_space<vmem>>, vector<1x16xf32>,
        %swap3A_115 = vector.shape_cast %swap3A_114 : vector<1x16xf32> to vector<16xf32>
        %swap3A_116 = vector.shape_cast %scan3A_111#0 : vector<16xf32> to vector<1x16xf32>
        tpu.vector_store %arg16[%swap3A, %swap3A_113], %swap3A_116 {strides = array<i32>} : memref<4x128xf32, #tpu.memory_space<vmem>>, vector<1x16xf32>,
        %swap3A_117 = arith.index_cast %scan3A_75 : i32 to index
        %swap3A_118 = arith.constant 0 : index
        %swap3A_119 = tpu.vector_load %arg17[%swap3A_117, %swap3A_118] {strides = array<i32>} : memref<4x128xf32, #tpu.memory_space<vmem>>, vector<1x16xf32>,
        %swap3A_120 = vector.shape_cast %swap3A_119 : vector<1x16xf32> to vector<16xf32>
        %swap3A_121 = vector.shape_cast %scan3A_111#8 : vector<16xf32> to vector<1x16xf32>
        tpu.vector_store %arg17[%swap3A_117, %swap3A_118], %swap3A_121 {strides = array<i32>} : memref<4x128xf32, #tpu.memory_space<vmem>>, vector<1x16xf32>,
        %swap3A_122 = arith.index_cast %scan3A_75 : i32 to index
        %swap3A_123 = arith.constant 16 : index
        %swap3A_124 = tpu.vector_load %arg16[%swap3A_122, %swap3A_123] {strides = array<i32>} : memref<4x128xf32, #tpu.memory_space<vmem>>, vector<1x16xf32>,
        %swap3A_125 = vector.shape_cast %swap3A_124 : vector<1x16xf32> to vector<16xf32>
        %swap3A_126 = vector.shape_cast %scan3A_111#1 : vector<16xf32> to vector<1x16xf32>
        tpu.vector_store %arg16[%swap3A_122, %swap3A_123], %swap3A_126 {strides = array<i32>} : memref<4x128xf32, #tpu.memory_space<vmem>>, vector<1x16xf32>,
        %swap3A_127 = arith.index_cast %scan3A_75 : i32 to index
        %swap3A_128 = arith.constant 16 : index
        %swap3A_129 = tpu.vector_load %arg17[%swap3A_127, %swap3A_128] {strides = array<i32>} : memref<4x128xf32, #tpu.memory_space<vmem>>, vector<1x16xf32>,
        %swap3A_130 = vector.shape_cast %swap3A_129 : vector<1x16xf32> to vector<16xf32>
        %swap3A_131 = vector.shape_cast %scan3A_111#9 : vector<16xf32> to vector<1x16xf32>
        tpu.vector_store %arg17[%swap3A_127, %swap3A_128], %swap3A_131 {strides = array<i32>} : memref<4x128xf32, #tpu.memory_space<vmem>>, vector<1x16xf32>,
        %swap3A_132 = arith.index_cast %scan3A_75 : i32 to index
        %swap3A_133 = arith.constant 32 : index
        %swap3A_134 = tpu.vector_load %arg16[%swap3A_132, %swap3A_133] {strides = array<i32>} : memref<4x128xf32, #tpu.memory_space<vmem>>, vector<1x16xf32>,
        %swap3A_135 = vector.shape_cast %swap3A_134 : vector<1x16xf32> to vector<16xf32>
        %swap3A_136 = vector.shape_cast %scan3A_111#2 : vector<16xf32> to vector<1x16xf32>
        tpu.vector_store %arg16[%swap3A_132, %swap3A_133], %swap3A_136 {strides = array<i32>} : memref<4x128xf32, #tpu.memory_space<vmem>>, vector<1x16xf32>,
        %swap3A_137 = arith.index_cast %scan3A_75 : i32 to index
        %swap3A_138 = arith.constant 32 : index
        %swap3A_139 = tpu.vector_load %arg17[%swap3A_137, %swap3A_138] {strides = array<i32>} : memref<4x128xf32, #tpu.memory_space<vmem>>, vector<1x16xf32>,
        %swap3A_140 = vector.shape_cast %swap3A_139 : vector<1x16xf32> to vector<16xf32>
        %swap3A_141 = vector.shape_cast %scan3A_111#10 : vector<16xf32> to vector<1x16xf32>
        tpu.vector_store %arg17[%swap3A_137, %swap3A_138], %swap3A_141 {strides = array<i32>} : memref<4x128xf32, #tpu.memory_space<vmem>>, vector<1x16xf32>,
        %swap3A_142 = arith.index_cast %scan3A_75 : i32 to index
        %swap3A_143 = arith.constant 48 : index
        %swap3A_144 = tpu.vector_load %arg16[%swap3A_142, %swap3A_143] {strides = array<i32>} : memref<4x128xf32, #tpu.memory_space<vmem>>, vector<1x16xf32>,
        %swap3A_145 = vector.shape_cast %swap3A_144 : vector<1x16xf32> to vector<16xf32>
        %swap3A_146 = vector.shape_cast %scan3A_111#3 : vector<16xf32> to vector<1x16xf32>
        tpu.vector_store %arg16[%swap3A_142, %swap3A_143], %swap3A_146 {strides = array<i32>} : memref<4x128xf32, #tpu.memory_space<vmem>>, vector<1x16xf32>,
        %swap3A_147 = arith.index_cast %scan3A_75 : i32 to index
        %swap3A_148 = arith.constant 48 : index
        %swap3A_149 = tpu.vector_load %arg17[%swap3A_147, %swap3A_148] {strides = array<i32>} : memref<4x128xf32, #tpu.memory_space<vmem>>, vector<1x16xf32>,
        %swap3A_150 = vector.shape_cast %swap3A_149 : vector<1x16xf32> to vector<16xf32>
        %swap3A_151 = vector.shape_cast %scan3A_111#11 : vector<16xf32> to vector<1x16xf32>
        tpu.vector_store %arg17[%swap3A_147, %swap3A_148], %swap3A_151 {strides = array<i32>} : memref<4x128xf32, #tpu.memory_space<vmem>>, vector<1x16xf32>,
        %swap3A_152 = arith.index_cast %scan3A_75 : i32 to index
        %swap3A_153 = arith.constant 64 : index
        %swap3A_154 = tpu.vector_load %arg16[%swap3A_152, %swap3A_153] {strides = array<i32>} : memref<4x128xf32, #tpu.memory_space<vmem>>, vector<1x16xf32>,
        %swap3A_155 = vector.shape_cast %swap3A_154 : vector<1x16xf32> to vector<16xf32>
        %swap3A_156 = vector.shape_cast %scan3A_111#4 : vector<16xf32> to vector<1x16xf32>
        tpu.vector_store %arg16[%swap3A_152, %swap3A_153], %swap3A_156 {strides = array<i32>} : memref<4x128xf32, #tpu.memory_space<vmem>>, vector<1x16xf32>,
        %swap3A_157 = arith.index_cast %scan3A_75 : i32 to index
        %swap3A_158 = arith.constant 64 : index
        %swap3A_159 = tpu.vector_load %arg17[%swap3A_157, %swap3A_158] {strides = array<i32>} : memref<4x128xf32, #tpu.memory_space<vmem>>, vector<1x16xf32>,
        %swap3A_160 = vector.shape_cast %swap3A_159 : vector<1x16xf32> to vector<16xf32>
        %swap3A_161 = vector.shape_cast %scan3A_111#12 : vector<16xf32> to vector<1x16xf32>
        tpu.vector_store %arg17[%swap3A_157, %swap3A_158], %swap3A_161 {strides = array<i32>} : memref<4x128xf32, #tpu.memory_space<vmem>>, vector<1x16xf32>,
        %swap3A_162 = arith.index_cast %scan3A_75 : i32 to index
        %swap3A_163 = arith.constant 80 : index
        %swap3A_164 = tpu.vector_load %arg16[%swap3A_162, %swap3A_163] {strides = array<i32>} : memref<4x128xf32, #tpu.memory_space<vmem>>, vector<1x16xf32>,
        %swap3A_165 = vector.shape_cast %swap3A_164 : vector<1x16xf32> to vector<16xf32>
        %swap3A_166 = vector.shape_cast %scan3A_111#5 : vector<16xf32> to vector<1x16xf32>
        tpu.vector_store %arg16[%swap3A_162, %swap3A_163], %swap3A_166 {strides = array<i32>} : memref<4x128xf32, #tpu.memory_space<vmem>>, vector<1x16xf32>,
        %swap3A_167 = arith.index_cast %scan3A_75 : i32 to index
        %swap3A_168 = arith.constant 80 : index
        %swap3A_169 = tpu.vector_load %arg17[%swap3A_167, %swap3A_168] {strides = array<i32>} : memref<4x128xf32, #tpu.memory_space<vmem>>, vector<1x16xf32>,
        %swap3A_170 = vector.shape_cast %swap3A_169 : vector<1x16xf32> to vector<16xf32>
        %swap3A_171 = vector.shape_cast %scan3A_111#13 : vector<16xf32> to vector<1x16xf32>
        tpu.vector_store %arg17[%swap3A_167, %swap3A_168], %swap3A_171 {strides = array<i32>} : memref<4x128xf32, #tpu.memory_space<vmem>>, vector<1x16xf32>,
        %swap3A_172 = arith.index_cast %scan3A_75 : i32 to index
        %swap3A_173 = arith.constant 96 : index
        %swap3A_174 = tpu.vector_load %arg16[%swap3A_172, %swap3A_173] {strides = array<i32>} : memref<4x128xf32, #tpu.memory_space<vmem>>, vector<1x16xf32>,
        %swap3A_175 = vector.shape_cast %swap3A_174 : vector<1x16xf32> to vector<16xf32>
        %swap3A_176 = vector.shape_cast %scan3A_111#6 : vector<16xf32> to vector<1x16xf32>
        tpu.vector_store %arg16[%swap3A_172, %swap3A_173], %swap3A_176 {strides = array<i32>} : memref<4x128xf32, #tpu.memory_space<vmem>>, vector<1x16xf32>,
        %swap3A_177 = arith.index_cast %scan3A_75 : i32 to index
        %swap3A_178 = arith.constant 96 : index
        %swap3A_179 = tpu.vector_load %arg17[%swap3A_177, %swap3A_178] {strides = array<i32>} : memref<4x128xf32, #tpu.memory_space<vmem>>, vector<1x16xf32>,
        %swap3A_180 = vector.shape_cast %swap3A_179 : vector<1x16xf32> to vector<16xf32>
        %swap3A_181 = vector.shape_cast %scan3A_111#14 : vector<16xf32> to vector<1x16xf32>
        tpu.vector_store %arg17[%swap3A_177, %swap3A_178], %swap3A_181 {strides = array<i32>} : memref<4x128xf32, #tpu.memory_space<vmem>>, vector<1x16xf32>,
        %swap3A_182 = arith.index_cast %scan3A_75 : i32 to index
        %swap3A_183 = arith.constant 112 : index
        %swap3A_184 = tpu.vector_load %arg16[%swap3A_182, %swap3A_183] {strides = array<i32>} : memref<4x128xf32, #tpu.memory_space<vmem>>, vector<1x16xf32>,
        %swap3A_185 = vector.shape_cast %swap3A_184 : vector<1x16xf32> to vector<16xf32>
        %swap3A_186 = vector.shape_cast %scan3A_111#7 : vector<16xf32> to vector<1x16xf32>
        tpu.vector_store %arg16[%swap3A_182, %swap3A_183], %swap3A_186 {strides = array<i32>} : memref<4x128xf32, #tpu.memory_space<vmem>>, vector<1x16xf32>,
        %swap3A_187 = arith.index_cast %scan3A_75 : i32 to index
        %swap3A_188 = arith.constant 112 : index
        %swap3A_189 = tpu.vector_load %arg17[%swap3A_187, %swap3A_188] {strides = array<i32>} : memref<4x128xf32, #tpu.memory_space<vmem>>, vector<1x16xf32>,
        %swap3A_190 = vector.shape_cast %swap3A_189 : vector<1x16xf32> to vector<16xf32>
        %swap3A_191 = vector.shape_cast %scan3A_111#15 : vector<16xf32> to vector<1x16xf32>
        tpu.vector_store %arg17[%swap3A_187, %swap3A_188], %swap3A_191 {strides = array<i32>} : memref<4x128xf32, #tpu.memory_space<vmem>>, vector<1x16xf32>,
      }
      %scan3A_68 = arith.constant 4 : i32
      %mul3A_69 = arith.constant 4 : i32
      %mul3A_70 = arith.muli %add3A_54, %mul3A_69 : i32
      %add3A_71 = arith.addi %mul3A_4, %mul3A_70 : i32
      "tpu.region"() ({
        %run_scoped3A = tpu.sem_alloc : memref<!tpu.dma_semaphore, #tpu.memory_space<semaphore_mem>>
        %dma_start3A_75 = arith.constant 0 : i32
        %dma_start3A_76 = tpu.memref_slice %arg6[%add3A_71, %dma_start3A_75] : memref<10240x128xf32, #tpu.memory_space<hbm>> -> memref<4x128xf32, #tpu.memory_space<hbm>>
        %dma_start3A_77 = arith.constant 0 : i32
        %dma_start3A_78 = tpu.memref_slice %arg6[%add3A_71, %dma_start3A_77] : memref<10240x128xf32, #tpu.memory_space<hbm>> -> memref<4x128xf32, #tpu.memory_space<hbm>>
        tpu.enqueue_dma source(%arg16 : memref<4x128xf32, #tpu.memory_space<vmem>>) target(%dma_start3A_78 : memref<4x128xf32, #tpu.memory_space<hbm>>) target_semaphore(%run_scoped3A : memref<!tpu.dma_semaphore, #tpu.memory_space<semaphore_mem>>)
        %dma_wait3A_79 = arith.constant 0 : i32
        %dma_wait3A_80 = tpu.memref_slice %arg6[%add3A_71, %dma_wait3A_79] : memref<10240x128xf32, #tpu.memory_space<hbm>> -> memref<4x128xf32, #tpu.memory_space<hbm>>
        %dma_wait3A_81 = arith.constant 0 : i32
        %dma_wait3A_82 = tpu.memref_slice %arg6[%add3A_71, %dma_wait3A_81] : memref<10240x128xf32, #tpu.memory_space<hbm>> -> memref<4x128xf32, #tpu.memory_space<hbm>>
        tpu.wait_dma2 semaphore(%run_scoped3A : memref<!tpu.dma_semaphore, #tpu.memory_space<semaphore_mem>>) src(%arg16 : memref<4x128xf32, #tpu.memory_space<vmem>>) dst(%dma_wait3A_82 : memref<4x128xf32, #tpu.memory_space<hbm>>)
        tpu.yield
      }) : () -> ()
      %mul3A_72 = arith.constant 4 : i32
      %mul3A_73 = arith.muli %add3A_54, %mul3A_72 : i32
      %add3A_74 = arith.addi %mul3A_4, %mul3A_73 : i32
      "tpu.region"() ({
        %run_scoped3A = tpu.sem_alloc : memref<!tpu.dma_semaphore, #tpu.memory_space<semaphore_mem>>
        %dma_start3A_75 = arith.constant 0 : i32
        %dma_start3A_76 = tpu.memref_slice %arg7[%add3A_74, %dma_start3A_75] : memref<10240x128xf32, #tpu.memory_space<hbm>> -> memref<4x128xf32, #tpu.memory_space<hbm>>
        %dma_start3A_77 = arith.constant 0 : i32
        %dma_start3A_78 = tpu.memref_slice %arg7[%add3A_74, %dma_start3A_77] : memref<10240x128xf32, #tpu.memory_space<hbm>> -> memref<4x128xf32, #tpu.memory_space<hbm>>
        tpu.enqueue_dma source(%arg17 : memref<4x128xf32, #tpu.memory_space<vmem>>) target(%dma_start3A_78 : memref<4x128xf32, #tpu.memory_space<hbm>>) target_semaphore(%run_scoped3A : memref<!tpu.dma_semaphore, #tpu.memory_space<semaphore_mem>>)
        %dma_wait3A_79 = arith.constant 0 : i32
        %dma_wait3A_80 = tpu.memref_slice %arg7[%add3A_74, %dma_wait3A_79] : memref<10240x128xf32, #tpu.memory_space<hbm>> -> memref<4x128xf32, #tpu.memory_space<hbm>>
        %dma_wait3A_81 = arith.constant 0 : i32
        %dma_wait3A_82 = tpu.memref_slice %arg7[%add3A_74, %dma_wait3A_81] : memref<10240x128xf32, #tpu.memory_space<hbm>> -> memref<4x128xf32, #tpu.memory_space<hbm>>
        tpu.wait_dma2 semaphore(%run_scoped3A : memref<!tpu.dma_semaphore, #tpu.memory_space<semaphore_mem>>) src(%arg17 : memref<4x128xf32, #tpu.memory_space<vmem>>) dst(%dma_wait3A_82 : memref<4x128xf32, #tpu.memory_space<hbm>>)
        tpu.yield
      }) : () -> ()
    }
    %scan3A_18 = arith.constant 40 : i32
    return
  }
}

module attributes {stable_mosaic.version = 14 : i64} {
  func.func @body(%arg0: i32, %arg1: memref<2000x128xf32, #tpu.memory_space<vmem>>, %arg2: memref<2000x128xf32, #tpu.memory_space<vmem>>, %arg3: memref<2000x128xf32, #tpu.memory_space<vmem>>, %arg4: memref<128x128xf32, #tpu.memory_space<vmem>>, %arg5: memref<1x128xf32, #tpu.memory_space<vmem>>, %arg6: memref<2000x128xf32, #tpu.memory_space<vmem>>) attributes {dimension_semantics = [#tpu.dimension_semantics<arbitrary>], iteration_bounds = array<i64: 5>, scalar_prefetch = 0 : i64, scratch_operands = 0 : i64, tpu.core_type = #tpu.core_type<tc>, window_params = [{transform_indices = @transform_0, window_bounds = array<i64: 2000, 128>}, {transform_indices = @transform_1, window_bounds = array<i64: 2000, 128>}, {transform_indices = @transform_2, window_bounds = array<i64: 2000, 128>}, {pipeline_mode = #tpu.pipeline_mode<synchronous>, transform_indices = @transform_3, window_bounds = array<i64: 128, 128>}, {pipeline_mode = #tpu.pipeline_mode<synchronous>, transform_indices = @transform_4, window_bounds = array<i64: 1, 128>}, {transform_indices = @transform_5, window_bounds = array<i64: 2000, 128>}]} {
    %get3A = arith.constant 0 : index
    %get3A_0 = arith.constant 0 : index
    %get3A_1 = vector.load %arg1[%get3A, %get3A_0] : memref<2000x128xf32, #tpu.memory_space<vmem>>, vector<2000x128xf32>
    %get3A_2 = arith.constant 0 : index
    %get3A_3 = arith.constant 0 : index
    %get3A_4 = vector.load %arg2[%get3A_2, %get3A_3] : memref<2000x128xf32, #tpu.memory_space<vmem>>, vector<2000x128xf32>
    %add3A = arith.addf %get3A_1, %get3A_4 : vector<2000x128xf32>
    %get3A_5 = arith.constant 0 : index
    %get3A_6 = arith.constant 0 : index
    %get3A_7 = vector.load %arg4[%get3A_5, %get3A_6] : memref<128x128xf32, #tpu.memory_space<vmem>>, vector<128x128xf32>
    %dot_general3A = arith.constant dense<0.000000e+00> : vector<2000x128xf32>
    %dot_general3A_8 = tpu.matmul %add3A, %get3A_7, %dot_general3A {dimension_numbers = #tpu.dot_dimension_numbers<[1], [1], [0], [0], [0, 0, 1, 0], [], []>, transpose_lhs_hint = false} : vector<2000x128xf32>, vector<128x128xf32>, vector<2000x128xf32> -> vector<2000x128xf32>
    %get3A_9 = arith.constant 0 : index
    %get3A_10 = arith.constant 0 : index
    %get3A_11 = vector.load %arg3[%get3A_9, %get3A_10] : memref<2000x128xf32, #tpu.memory_space<vmem>>, vector<2000x128xf32>
    %add3A_12 = arith.addf %dot_general3A_8, %get3A_11 : vector<2000x128xf32>
    %get3A_13 = arith.constant 0 : index
    %get3A_14 = arith.constant 0 : index
    %get3A_15 = vector.load %arg5[%get3A_13, %get3A_14] : memref<1x128xf32, #tpu.memory_space<vmem>>, vector<1x128xf32>
    %mul3A = arith.constant 3.300000e+01 : f32
    %mul3A_16 = vector.broadcast %mul3A : f32 to vector<1x128xf32>
    %mul3A_17 = arith.mulf %mul3A_16, %get3A_15 : vector<1x128xf32>
    %add3A_18 = vector.broadcast %mul3A_17 : vector<1x128xf32> to vector<2000x128xf32>
    %add3A_19 = arith.addf %add3A_12, %add3A_18 : vector<2000x128xf32>
    %swap3A = arith.constant 0 : index
    %swap3A_20 = arith.constant 0 : index
    %swap3A_21 = vector.load %arg6[%swap3A, %swap3A_20] : memref<2000x128xf32, #tpu.memory_space<vmem>>, vector<2000x128xf32>
    tpu.vector_store %arg6[%swap3A, %swap3A_20], %add3A_19 {strides = array<i32>} : memref<2000x128xf32, #tpu.memory_space<vmem>>, vector<2000x128xf32>,
    return
  }
  func.func @transform_0(%arg0: i32) -> (i32, i32) {
    %c0_i32 = arith.constant 0 : i32
    %c0_i32_0 = arith.constant 0 : i32
    return %arg0, %c0_i32 : i32, i32
  }
  func.func @transform_1(%arg0: i32) -> (i32, i32) {
    %c0_i32 = arith.constant 0 : i32
    %c0_i32_0 = arith.constant 0 : i32
    return %arg0, %c0_i32 : i32, i32
  }
  func.func @transform_2(%arg0: i32) -> (i32, i32) {
    %c0_i32 = arith.constant 0 : i32
    %c0_i32_0 = arith.constant 0 : i32
    return %arg0, %c0_i32 : i32, i32
  }
  func.func @transform_3(%arg0: i32) -> (i32, i32) {
    %c0_i32 = arith.constant 0 : i32
    %c0_i32_0 = arith.constant 0 : i32
    %c0_i32_1 = arith.constant 0 : i32
    return %c0_i32, %c0_i32_0 : i32, i32
  }
  func.func @transform_4(%arg0: i32) -> (i32, i32) {
    %c0_i32 = arith.constant 0 : i32
    %c0_i32_0 = arith.constant 0 : i32
    %c0_i32_1 = arith.constant 0 : i32
    return %c0_i32, %c0_i32_0 : i32, i32
  }
  func.func @transform_5(%arg0: i32) -> (i32, i32) {
    %c0_i32 = arith.constant 0 : i32
    %c0_i32_0 = arith.constant 0 : i32
    return %arg0, %c0_i32 : i32, i32
  }
}

</mosaic_0001>

<sc_bundles>
// kernel: kernel.4.cloned.1.call-start
scs
__scs_entry_jumppad:
0x0: {  	(pc) =	sbr.rel $0x88, $3  }
0x1: {  	(tag) =	ssettag $0x0;
	lr =	simm.s32 $0x1  }
0x2: {  	[smem:$0x3F9C] =	sst lr;
	_ =	strace $0xD0000000  }
0x3: {  	_ = 	snop  }
0x4: {  	_ = 	snop  }
0x5: {  	_ = 	snop  }
0x6: {  	_ = 	snop  }
0x7: {  	_ = 	snop  }
__scs_overlays_trampoline_lowered:
0x8: {  	[smem:$0x3FAB] =	sst s0  }
0x9: {  	[smem:$0x3FAC] =	sst s1  }
0xa: {  	[smem:$0x3FAD] =	sst s2  }
0xb: {  	[smem:$0x3FAE] =	sst s3  }
0xc: {  	[smem:$0x3FAF] =	sst s4  }
0xd: {  	[smem:$0x3FB0] =	sst s5  }
0xe: {  	[smem:$0x3FB1] =	sst s6  }
0xf: {  	[smem:$0x3FB2] =	sst s7  }
0x10: {  	[smem:$0x3FB3] =	sst s8  }
0x11: {  	[smem:$0x3FB4] =	sst s9;
	s0 =	simm.s32 @!p0 $0x0  }
0x12: {  	s1 =	sld [smem:$0x3F9A];
	s0 =	simm.s32 @p0 $0x1  }
0x13: {  	[smem:$0x3FB5] =	sst s0;
	s0 =	simm.s32 @!p1 $0x0  }
0x14: {  	s2 =	sld [smem:$0x3F99];
	s0 =	simm.s32 @p1 $0x1  }
0x15: {  	[smem:$0x3FB6] =	sst s0;
	s0 =	simm.s32 @!p2 $0x0  }
0x16: {  	s3 =	sld [smem:$0x3FDB];
	s0 =	simm.s32 @p2 $0x1  }
0x17: {  	s4 =	simm.s32 $0x1BF5;
	[smem:$0x3FB8] =	sst s0  }
0x18: {  	s0 =	sld [smem:$0x3F9B];
	_ =	swait.ge [sflag:s4], $0x0  }
0x19: {  	s7 =	sld [smem:$0x3F9C]  }
0x1a: {  	s8 =	sadd.s32 $0xFFFFE003, lr  }
0x1b: {  	s9 =	sadd.s32 $0xFFFFFEF7, lr;
	s5 =	simm.s32 $0xFFFFFFFF;
	p2 =	slt.u32 s8, $0xFFFFF086  }
0x1c: {  	p1 =	slt.u32 s9, $0xF7A;
	s5 =	simm.s32 @!p2 $0x0  }
0x1d: {  	s5 =	simm.s32 @p1 $0x1;
	p0 =	seq.s32 s7, s2  }
0x1e: {  	s7 =	smul.u32 @!p0 $0xF7A, s2;
	p2 =	seq.s32 @!p0 s5, $0x0  }
0x1f: {  	s9 =	smul.u32 $0xF7A, s1;
	s8 =	simm.s32 @!p0 $0x1BF5;
	p2 =	por !p2, p0  }
0x20: {  	[sflag:s8] =	ssyncset.s32 @!p0 $0xFFFFF086;
	s6 =	sadd.s32 @!p0 s3, s7;
	s7 =	simm.s32 @!p0 $0x108  }
0x21: {  	s3 =	sadd.s32 s3, s9;
	s6 =	sadd.s32 @!p0 $0x88, s6;
	s7 =	simm.s32 @p2 $0x1082  }
0x22: {  	[simem:s7], [sflag:s8] =	dma.local @!p0 [hbm:s6], $0xF7A  }
0x23: {  	s9 =	sor.u32 $0xD0000000, s2;
	s6 =	simm.s32 $0x108;
	_ =	swait.ge @!p0 [sflag:s8], $0x0  }
0x24: {  	s3 =	sadd.s32 $0x88, s3;
	s6 =	simm.s32 @!p1 $0x1082;
	[sflag:s4] =	ssyncset.s32 $0xFFFFF086  }
0x25: {  	[simem:s6], [sflag:s4] =	dma.local [hbm:s3], $0xF7A  }
0x26: {  	[smem:$0x3F9C] =	sst s1;
	(tag) =	ssettag s2;
	_ =	strace s9  }
0x27: {  	s1 =	sld [smem:$0x3FAC]  }
0x28: {  	s2 =	sld [smem:$0x3FAD]  }
0x29: {  	s4 =	sld [smem:$0x3FAF]  }
0x2a: {  	p0 =	seq.s32 s5, $0x0;
	s5 =	sld [smem:$0x3FB0]  }
0x2b: {  	s6 =	sld [smem:$0x3FB1]  }
0x2c: {  	s7 =	sld [smem:$0x3FB2]  }
0x2d: {  	s3 =	simm.s32 $0x108;
	s8 =	sld [smem:$0x3FB3]  }
0x2e: {  	s3 =	simm.s32 @!p0 $0x1082;
	s9 =	sld [smem:$0x3FB4]  }
0x2f: {  	lr =	sadd.s32 s0, s3;
	s0 =	sld [smem:$0x3FAB]  }
0x30: {  	s3 =	sld [smem:$0x3FAE]  }
0x31: {  	[smem:$0x3FB7] =	sst s10  }
0x32: {  	s10 =	sld [smem:$0x3FB5];
	_ =	sdelay $0x3  }
0x33: {  	p0 =	seq.s32 s10, $0x1;
	s10 =	sld [smem:$0x3FB7];
	_ =	sdelay $0x3  }
0x34: {  	[smem:$0x3FB7] =	sst s10  }
0x35: {  	s10 =	sld [smem:$0x3FB6];
	_ =	sdelay $0x3  }
0x36: {  	p1 =	seq.s32 s10, $0x1;
	s10 =	sld [smem:$0x3FB7];
	_ =	sdelay $0x3  }
0x37: {  	[smem:$0x3FB7] =	sst s10  }
0x38: {  	s10 =	sld [smem:$0x3FB8]  }
0x39: {  	_ = 	snop;
	(pc) =	sbr.ind lr, $3  }
0x3a: {  	_ = 	snop  }
0x3b: {  	_ = 	snop  }
0x3c: {  	p2 =	seq.s32 s10, $0x1;
	s10 =	sld [smem:$0x3FB7]  }
0x3d: {  	_ =	shalt  }
0x3e: {  	_ =	shalt  }
0x3f: {  	_ =	shalt  }
0x40: {  	_ =	shalt  }
0x41: {  	_ =	shalt  }
0x42: {  	_ =	shalt  }
0x43: {  	_ =	shalt  }
0x44: {  	_ =	shalt  }
0x45: {  	_ =	shalt  }
0x46: {  	_ =	shalt  }
0x47: {  	_ =	shalt  }
0x48: {  	_ =	shalt  }
0x49: {  	_ =	shalt  }
0x4a: {  	_ =	shalt  }
0x4b: {  	_ =	shalt  }
0x4c: {  	_ =	shalt  }
0x4d: {  	_ =	shalt  }
0x4e: {  	_ =	shalt  }
0x4f: {  	_ =	shalt  }
0x50: {  	_ =	shalt  }
0x51: {  	_ =	shalt  }
0x52: {  	_ =	shalt  }
0x53: {  	_ =	shalt  }
0x54: {  	_ =	shalt  }
0x55: {  	_ =	shalt  }
0x56: {  	_ =	shalt  }
0x57: {  	_ =	shalt  }
0x58: {  	_ =	shalt  }
0x59: {  	_ =	shalt  }
0x5a: {  	_ =	shalt  }
0x5b: {  	_ =	shalt  }
0x5c: {  	_ =	shalt  }
0x5d: {  	_ =	shalt  }
0x5e: {  	_ =	shalt  }
0x5f: {  	_ =	shalt  }
0x60: {  	_ =	shalt  }
0x61: {  	_ =	shalt  }
0x62: {  	_ =	shalt  }
0x63: {  	_ =	shalt  }
0x64: {  	_ =	shalt  }
0x65: {  	_ =	shalt  }
0x66: {  	_ =	shalt  }
0x67: {  	_ =	shalt  }
0x68: {  	_ =	shalt  }
0x69: {  	_ =	shalt  }
0x6a: {  	_ =	shalt  }
0x6b: {  	_ =	shalt  }
0x6c: {  	_ =	shalt  }
0x6d: {  	_ =	shalt  }
0x6e: {  	_ =	shalt  }
0x6f: {  	_ =	shalt  }
0x70: {  	_ =	shalt  }
0x71: {  	_ =	shalt  }
0x72: {  	_ =	shalt  }
0x73: {  	_ =	shalt  }
0x74: {  	_ =	shalt  }
0x75: {  	_ =	shalt  }
0x76: {  	_ =	shalt  }
0x77: {  	_ =	shalt  }
0x78: {  	_ =	shalt  }
0x79: {  	_ =	shalt  }
0x7a: {  	_ =	shalt  }
0x7b: {  	_ =	shalt  }
0x7c: {  	_ =	shalt  }
0x7d: {  	_ =	shalt  }
0x7e: {  	_ =	shalt  }
0x7f: {  	_ =	shalt  }
0x80: {  	_ =	shalt  }
0x81: {  	_ =	shalt  }
0x82: {  	_ =	shalt  }
0x83: {  	_ =	shalt  }
0x84: {  	_ =	shalt  }
0x85: {  	_ =	shalt  }
0x86: {  	_ =	shalt  }
0x87: {  	_ =	shalt  }
.Lfunc_end0:
.L_simem_size_0:
called_computation_lowered:
.L_overlay_start_0:
0x88: {  	s2 =	sld [smem:$0x3FD9]  }
0x89: {  	s3 =	sld [smem:$0x3FFE];
	_ =	sdelay $0x1  }
0x8a: {  	s1 =	srdreg.scid  }
0x8b: {  	s0 =	sand.u32 $0x1, s1  }
0x8c: {  	s17 =	sshll.u32 s0, $0xA;
	s2 =	sadd.s32 s3, s2  }
0x8d: {  	s2 =	sadd.s32 s2, s17  }
0x8e: {  	[smem:$0x3FC3] =	sst s2  }
0x8f: {  	_ = 	snop  }
0x90: {  	s2 =	sld [smem:$0x3FC9]  }
0x91: {  	s18 =	sld [smem:$0x3FC8]  }
0x92: {  	s4 =	sld [smem:$0x3FD0];
	(tm) =	ssettm $0x1  }
0x93: {  	s5 =	sld [smem:$0x3FFB];
	_ =	sdelay $0x3  }
0x94: {  	_ =	strace s5  }
0x95: {  	s5 =	sld [smem:$0x3FFC];
	_ =	sdelay $0x3  }
0x96: {  	_ =	strace s5  }
0x97: {  	s5 =	sld [smem:$0x3FFD];
	_ =	sdelay $0x3  }
0x98: {  	_ =	strace s5  }
0x99: {  	_ =	strace $0x8FFFFFFF  }
0x9a: {  	s19 =	sld [smem:$0x3FDB];
	_ =	sdelay $0x1  }
0x9b: {  	s6 =	simm.s32 $_scs_section_size  }
0x9c: {  	s7 =	simm.s32 $_size__tile_overlayer_lowered;
	s8 =	simm.s32 $_tile_overlayer_lowered  }
0x9d: {  	s22 =	simm.s32 $0x1BFF;
	s21 =	sshll.u32 s8, $0x1;
	s5 =	sadd.s32 s6, s19  }
0x9e: {  	s9 =	simm.s32 $0x0;
	s20 =	sshll.u32 s7, $0x1;
	s7 =	sadd.s32 s21, s5  }
0x9f: {  	[timem:s9], [sflag:s22] =	dma.local [hbm:s7], s20  }
0xa0: {  	_ =	swait.ge [sflag:s22], s20  }
0xa1: {  	s6 =	ssub.s32 $0x0, s20;
	[sflag:s22] =	ssyncset.done $0x0  }
0xa2: {  	[sflag:s22] =	ssyncadd.s32 s6;
	_ =	sdelay $0x1  }
0xa3: {  	s23 =	simm.s32 $0x1B8B  }
0xa4: {  	_ =	swait.ge [sflag:s23], $0x1  }
0xa5: {  	[sflag:s23] =	ssyncset.done $0x0  }
0xa6: {  	s25 =	simm.s32 $0x1B8E;
	s24 =	sld [smem:$0x3FFE];
	[sflag:s23] =	ssyncadd.s32 $0xFFFFFFFF  }
0xa7: {  	s26 =	simm.s32 $execute0_lowered;
	[smem:$0x3FD2] =	sst s25  }
0xa8: {  	s7 =	sshll.u32 s26, $0x1;
	_ =	strace $0x80000046;
	[dreg:$0x1] =	wrdreg $0xFFFFFFFF  }
0xa9: {  	s28 =	simm.s32 $_size_execute0_lowered;
	s5 =	sadd.s32 s5, s7;
	[dreg:$0x0] =	wrdreg $0x0  }
0xaa: {  	s7 =	sshll.u32 s28, $0x1;
	[dreg:$0x2] =	wrdreg s5  }
0xab: {  	[dreg:$0x3] =	wrdreg s7  }
0xac: {  	[dreg:$0x4] =	wrdreg $0xC0  }
0xad: {  	_ =	task [dreg:s9], $0x5FFFF  }
0xae: {  	[dreg:$0x1] =	wrdreg $0xFFFFFFFF  }
0xaf: {  	[dreg:$0x0] =	wrdreg $0x60  }
0xb0: {  	[dreg:$0x2] =	wrdreg s2  }
0xb1: {  	[dreg:$0x3] =	wrdreg s18  }
0xb2: {  	[dreg:$0x4] =	wrdreg s24  }
0xb3: {  	[dreg:$0x5] =	wrdreg s4  }
0xb4: {  	[dreg:$0x6] =	wrdreg $0x9  }
0xb5: {  	_ =	task.clear_ibuf [dreg:s9], $0x7FFFF;
	_ =	strace $0x90000046  }
0xb6: {  	s29 =	simm.s32 $0x9;
	_ =	strace $0x80000048  }
0xb7: {  	_ =	swait.ge [sflag:s29], $0x1  }
0xb8: {  	[sflag:s29] =	ssyncadd.s32 $0xFFFFFFFF  }
0xb9: {  	_ =	strace $0x90000048  }
0xba: {  	_ =	sfence  }
0xbb: {  	s30 =	sld [smem:$0x0];
	_ =	sdelay $0x2  }
0xbc: {  	s31 =	sshll.u32 s1, $0xD;
	s1 =	sshrl.u32 s1, $0x2  }
0xbd: {  	s3 =	sand.u32 $0x4000, s31;
	s1 =	sadd.s32 s1, s30  }
0xbe: {  	s0 =	sor.u32 s3, s0;
	s1 =	sshll.u32 s1, $0x11  }
0xbf: {  	s0 =	sor.u32 s1, s0  }
0xc0: {  	s0 =	sadd.s32 $0x8F2B, s0  }
0xc1: {  	[sflag:s0] =	ssyncadd.remote.s32 $0x1  }
0xc2: {  	_ =	sfence.sel $0xFFFF  }
0xc3: {  	[dreg:$0x0] =	wrdreg $0xFFFFFFFF;
	(pc) =	sbr.abs _section_cstart, $3  }
0xc4: {  	[dreg:$0x1] =	wrdreg $0xFFFFFFFF  }
0xc5: {  	_ =	task.clear_ibuf [dreg:s9], $0x2FFFF;
	_ =	strace $0x9FFFFFFF  }
0xc6: {  	(tm) =	ssettm $0x7FFFFFFF  }
0xc7: {  	_ =	shalt  }
tec
execute0_lowered:
.L_overlay_start_1:
0x0: {  	(tag) =	ssettag $0x1  }
0x1: {  	s1 =	rddreg [dreg:$0x0]  }
0x2: {  	s2 =	rddreg [dreg:$0x1]  }
0x3: {  	s0 =	rddreg [dreg:$0x2]  }
0x4: {  	s4 =	rddreg [dreg:$0x3];
	s5 =	simm.s32 $0x0;
	s3 =	srdreg.scid  }
0x5: {  	s6 =	stileid.u32;
	s15 =	simm.s32 $0x5;
	s17 =	simm.s32 $0x80  }
0x6: {  	s20 =	simm.s32 $0x180;
	s21 =	simm.s32 $0x4200;
	s22 =	simm.s32 $0xC200  }
0x7: {  	s23 =	simm.s32 $0x1;
	s24 =	simm.s32 $0x3;
	s28 =	simm.s32 $0x2  }
0x8: {  	s29 =	simm.s32 $0x4;
	s3 =	sand.u32 $0x1, s3;
	s7 =	sshll.u32 s6, $0x1  }
0x9: {  	s30 =	simm.s32 $0x0;
	[smem:$0x7FF] =	sst s5;
	s10 =	sor.u32 s3, s7  }
0xa: {  	s6 =	sadd.s32 $0x1C00, s0;
	s8 =	sadd.s32 $0x33C00, s0;
	s12 =	smul.u32 $0x500, s10  }
0xb: {  	_ =	strace $0x80000047;
	s3 =	ssub.s32 $0x2, s3;
	s9 =	smul.u32 $0x50, s10  }
0xc: {  	s7 =	sadd.s32 $0xBC00, s0;
	s25 =	sshrl.u32 s3, $0x1;
	s11 =	smul.u32 $0x28, s10  }
0xd: {  	s13 =	smul.u32 $0xA000, s10;
	s0 =	ssub.s32 s3, s25;
	s26 =	sadd.s32 s6, s12  }
0xe: {  	s25 =	simm.s32 $0x10200;
	s31 =	sadd.s32 s4, s12;
	[dreg:$0x5] =	wrdreg s26  }
0xf: {  	s14 =	smax.u32 s0, $0x1;
	[dreg:$0x6] =	wrdreg s31;
	s26 =	simm.s32 $0x10400  }
.LBB2_1:
0x10: {  	s0 =	rddreg [dreg:$0x5]  }
0x11: {  	[tilespmem:s5], [sflag:$0x5] =	stream.linear.gather [hbm4b:s0+s5], $0x80, $0x38;
	[tilespmem:$0x10600] =	vst v63  }
0x12: {  	_ =	swait.ge [sflag:s15], $0x80  }
0x13: {  	[sflag:s15] =	ssyncset.done $0x0  }
0x14: {  	s3 =	simm.s32 $0x100;
	s16 =	rddreg [dreg:$0x6];
	[sflag:s15] =	ssyncadd.s32 $0xFFFFFF80  }
0x15: {  	[tilespmem:s3], [sflag:$0x5] =	stream.linear.gather [hbm4b:s16+s5], $0x80, $0x38;
	[tilespmem:$0x10600] =	vst v63  }
0x16: {  	_ =	swait.ge [sflag:s15], $0x80  }
0x17: {  	[sflag:s15] =	ssyncset.done $0x0  }
0x18: {  	s18 =	simm.s32 $0x200;
	[sflag:s15] =	ssyncadd.s32 $0xFFFFFF80  }
0x19: {  	[tilespmem:s18], [sflag:$0x1] =	stream.indirect.gather [hbm4b:s1+s17], $0x80, s5, s17, $0xb8;
	[tilespmem:$0x10600] =	vst v63  }
0x1a: {  	s19 =	simm.s32 $0x8200;
	s31 =	simm.s32 $0x0  }
0x1b: {  	[tilespmem:s19], [sflag:$0x3] =	stream.indirect.gather [hbm4b:s2+s17], $0x80, s3, s17, $0xb8;
	[tilespmem:$0x10600] =	vst v63  }
.LBB2_2:
0x1c: {  	s0 =	sshll.u32 s31, $0x1  }
0x1d: {  	s3 =	sadd.s32 s9, s0  }
0x1e: {  	s10 =	sshll.u32 s31, $0x5;
	s3 =	sshll.u32 s3, $0x4  }
0x1f: {  	s10 =	sand.u32 $0x60, s10;
	s3 =	sand.u32 $0xFFFFF80, s3  }
0x20: {  	s3 =	sor.u32 s3, s10  }
0x21: {  	s10 =	sor.u32 $0x10, s3  }
0x22: {  	s3 =	simm.s32 $0x0;
	s16 =	sadd.s32 s6, s10  }
0x23: {  	[tilespmem:s17], [sflag:$0x5] =	stream.linear.gather [hbm4b:s16+s3], $0x80, $0x38;
	[tilespmem:$0x10600] =	vst v63  }
0x24: {  	_ =	swait.ge [sflag:s15], $0x80  }
0x25: {  	[sflag:s15] =	ssyncset.done $0x0  }
0x26: {  	s10 =	sadd.s32 s4, s10;
	[sflag:s15] =	ssyncadd.s32 $0xFFFFFF80  }
0x27: {  	[tilespmem:s20], [sflag:$0x5] =	stream.linear.gather [hbm4b:s10+s3], $0x80, $0x38;
	[tilespmem:$0x10600] =	vst v63  }
0x28: {  	_ =	swait.ge [sflag:s15], $0x80  }
0x29: {  	[sflag:s15] =	ssyncset.done $0x0  }
0x2a: {  	[sflag:s15] =	ssyncadd.s32 $0xFFFFFF80  }
0x2b: {  	[tilespmem:s21], [sflag:$0x2] =	stream.indirect.gather [hbm4b:s1+s17], $0x80, s17, s17, $0xb8;
	[tilespmem:$0x10600] =	vst v63  }
0x2c: {  	_ = 	snop  }
0x2d: {  	[tilespmem:s22], [sflag:$0x4] =	stream.indirect.gather [hbm4b:s2+s17], $0x80, s20, s17, $0xb8;
	[tilespmem:$0x10600] =	vst v63  }
0x2e: {  	_ =	swait.ge [sflag:s23], $0x4000  }
0x2f: {  	[sflag:s23] =	ssyncset.done $0x0  }
0x30: {  	[sflag:s23] =	ssyncadd.s32 $0xFFFFC000  }
0x31: {  	_ =	swait.ge [sflag:s24], $0x4000  }
0x32: {  	[sflag:s24] =	ssyncset.done $0x0  }
0x33: {  	s18 =	simm.s32 $0x240;
	s19 =	simm.s32 $0x8270;
	[sflag:s24] =	ssyncadd.s32 $0xFFFFC000  }
.LBB2_3:
0x34: {  	v3 =	vmov s19  }
0x35: {  	v7 =	vmov s18;
	_ =	sdelay $0x2  }
0x36: {  	s12 =	simm.s32 $0x0  }
0x37: {  	v0 =	vld.idx.msk [tilespmem:v3+s12+$0x0 ss:$0x1], $0xffff  }
0x38: {  	v1 =	vld.idx.msk [tilespmem:v7+s12+$0xFFFFFFC0 ss:$0x1], $0xffff  }
0x39: {  	v2 =	vld.idx.msk [tilespmem:v7+s12+$0xFFFFFFD0 ss:$0x1], $0xffff  }
0x3a: {  	v4 =	vld.idx.msk [tilespmem:v7+s12+$0xFFFFFFE0 ss:$0x1], $0xffff  }
0x3b: {  	v5 =	vld.idx.msk [tilespmem:v7+s12+$0xFFFFFFF0 ss:$0x1], $0xffff  }
0x3c: {  	v9 =	vld.idx.msk [tilespmem:v7+s12+$0x0 ss:$0x1], $0xffff  }
0x3d: {  	v12 =	vld.idx.msk [tilespmem:v7+s12+$0x10 ss:$0x1], $0xffff  }
0x3e: {  	v14 =	vld.idx.msk [tilespmem:v7+s12+$0x20 ss:$0x1], $0xffff  }
0x3f: {  	v10 =	vimm.f32 $0.0e+00;
	v15 =	vld.idx.msk [tilespmem:v7+s12+$0x30 ss:$0x1], $0xffff  }
0x40: {  	v16 =	vld.idx.msk [tilespmem:v3+s12+$0xFFFFFF90 ss:$0x1], $0xffff;
	v0 =	vadd.f32 v0, v10  }
0x41: {  	v23 =	vld.idx.msk [tilespmem:v3+s12+$0xFFFFFFA0 ss:$0x1], $0xffff;
	v13 =	vadd.f32 v1, v10;
	v11 =	vadd.f32 v2, v10  }
0x42: {  	v22 =	vld.idx.msk [tilespmem:v3+s12+$0xFFFFFFB0 ss:$0x1], $0xffff;
	v8 =	vadd.f32 v4, v10;
	v6 =	vadd.f32 v5, v10  }
0x43: {  	v21 =	vld.idx.msk [tilespmem:v3+s12+$0xFFFFFFC0 ss:$0x1], $0xffff;
	v5 =	vadd.f32 v9, v10;
	v4 =	vadd.f32 v12, v10  }
0x44: {  	v20 =	vld.idx.msk [tilespmem:v3+s12+$0xFFFFFFD0 ss:$0x1], $0xffff;
	v2 =	vadd.f32 v14, v10;
	v1 =	vadd.f32 v15, v10  }
0x45: {  	v18 =	vld.idx.msk [tilespmem:v3+s12+$0xFFFFFFE0 ss:$0x1], $0xffff;
	v17 =	vadd.f32 v16, v10;
	v16 =	vimm.f32 $0.0e+00;
	v15 =	vimm.f32 $0.0e+00  }
0x46: {  	s16 =	simm.s32 $0x80;
	s10 =	simm.s32 $0x400;
	v19 =	vld.idx.msk [tilespmem:v3+s12+$0xFFFFFFF0 ss:$0x1], $0xffff;
	v14 =	vimm.f32 $0.0e+00;
	v12 =	vimm.f32 $0.0e+00;
	v9 =	vimm.f32 $0.0e+00  }
.LBB2_4:
0x47: {  	p0 =	sne.s32 s10, $0x3E00;
	v24 =	vld.idx.msk [tilespmem:v3+s16+$0x0 ss:$0x1], $0xffff;
	v10 =	vadd.f32 v23, v10  }
0x48: {  	v16 =	vadd.f32 v22, v16;
	v23 =	vld.idx.msk [tilespmem:v7+s16+$0xFFFFFFC0 ss:$0x1], $0xffff  }
0x49: {  	v15 =	vadd.f32 v21, v15;
	v22 =	vld.idx.msk [tilespmem:v7+s16+$0xFFFFFFD0 ss:$0x1], $0xffff  }
0x4a: {  	v14 =	vadd.f32 v20, v14;
	v21 =	vld.idx.msk [tilespmem:v7+s16+$0xFFFFFFE0 ss:$0x1], $0xffff  }
0x4b: {  	v12 =	vadd.f32 v18, v12;
	v20 =	vld.idx.msk [tilespmem:v7+s16+$0xFFFFFFF0 ss:$0x1], $0xffff  }
0x4c: {  	v9 =	vadd.f32 v19, v9;
	v18 =	vld.idx.msk [tilespmem:v7+s16+$0x0 ss:$0x1], $0xffff  }
0x4d: {  	v0 =	vadd.f32 v24, v0;
	v19 =	vld.idx.msk [tilespmem:v7+s16+$0x10 ss:$0x1], $0xffff  }
0x4e: {  	v13 =	vadd.f32 v23, v13;
	v24 =	vld.idx.msk [tilespmem:v7+s16+$0x20 ss:$0x1], $0xffff  }
0x4f: {  	v11 =	vadd.f32 v22, v11;
	v25 =	vld.idx.msk [tilespmem:v7+s16+$0x30 ss:$0x1], $0xffff  }
0x50: {  	v8 =	vadd.f32 v21, v8;
	v26 =	vld.idx.msk [tilespmem:v3+s16+$0xFFFFFF90 ss:$0x1], $0xffff  }
0x51: {  	v6 =	vadd.f32 v20, v6;
	v23 =	vld.idx.msk [tilespmem:v3+s16+$0xFFFFFFA0 ss:$0x1], $0xffff  }
.Ltmp0:
0x52: {  	v5 =	vadd.f32 v18, v5;
	v22 =	vld.idx.msk [tilespmem:v3+s16+$0xFFFFFFB0 ss:$0x1], $0xffff;
	(pc) =	sbr.rel @p0 .LBB2_4-.Ltmp0, $4  }
0x53: {  	v4 =	vadd.f32 v19, v4;
	v21 =	vld.idx.msk [tilespmem:v3+s16+$0xFFFFFFC0 ss:$0x1], $0xffff  }
0x54: {  	v2 =	vadd.f32 v24, v2;
	v20 =	vld.idx.msk [tilespmem:v3+s16+$0xFFFFFFD0 ss:$0x1], $0xffff  }
0x55: {  	v1 =	vadd.f32 v25, v1;
	v18 =	vld.idx.msk [tilespmem:v3+s16+$0xFFFFFFE0 ss:$0x1], $0xffff  }
0x56: {  	v17 =	vadd.f32 v26, v17;
	v19 =	vld.idx.msk [tilespmem:v3+s16+$0xFFFFFFF0 ss:$0x1], $0xffff;
	s16 =	sshra.s32 s10, $0x2;
	s10 =	sadd.s32 $0x200, s10  }
0x57: {  	_ =	sdelay $0x3  }
0x58: {  	v24 =	vld.idx.msk [tilespmem:v3+s16+$0x0 ss:$0x1], $0xffff  }
0x59: {  	v25 =	vld.idx.msk [tilespmem:v7+s16+$0xFFFFFFC0 ss:$0x1], $0xffff  }
0x5a: {  	v26 =	vld.idx.msk [tilespmem:v7+s16+$0xFFFFFFD0 ss:$0x1], $0xffff  }
0x5b: {  	v27 =	vld.idx.msk [tilespmem:v7+s16+$0xFFFFFFE0 ss:$0x1], $0xffff  }
0x5c: {  	v28 =	vld.idx.msk [tilespmem:v7+s16+$0xFFFFFFF0 ss:$0x1], $0xffff  }
0x5d: {  	v29 =	vld.idx.msk [tilespmem:v7+s16+$0x0 ss:$0x1], $0xffff  }
0x5e: {  	v30 =	vld.idx.msk [tilespmem:v7+s16+$0x10 ss:$0x1], $0xffff  }
0x5f: {  	v31 =	vld.idx.msk [tilespmem:v7+s16+$0x20 ss:$0x1], $0xffff  }
0x60: {  	v55 =	vld.idx.msk [tilespmem:v7+s16+$0x30 ss:$0x1], $0xffff  }
0x61: {  	v32 =	vld.idx.msk [tilespmem:v3+s16+$0xFFFFFF90 ss:$0x1], $0xffff  }
0x62: {  	v33 =	vld.idx.msk [tilespmem:v3+s16+$0xFFFFFFA0 ss:$0x1], $0xffff  }
0x63: {  	v34 =	vld.idx.msk [tilespmem:v3+s16+$0xFFFFFFB0 ss:$0x1], $0xffff  }
0x64: {  	v35 =	vld.idx.msk [tilespmem:v3+s16+$0xFFFFFFC0 ss:$0x1], $0xffff  }
0x65: {  	v36 =	vld.idx.msk [tilespmem:v3+s16+$0xFFFFFFD0 ss:$0x1], $0xffff;
	v13 =	vadd.f32 v25, v13  }
0x66: {  	v56 =	vld.idx.msk [tilespmem:v3+s16+$0xFFFFFFE0 ss:$0x1], $0xffff;
	v10 =	vadd.f32 v23, v10;
	s10 =	sshll.u32 s3, $0x7;
	v17 =	vadd.f32 v32, v17  }
0x67: {  	v57 =	vld.idx.msk [tilespmem:v3+s16+$0xFFFFFFF0 ss:$0x1], $0xffff;
	v11 =	vadd.f32 v26, v11;
	[tilespmem:s10+$0x10200] =	vst v13  }
0x68: {  	v10 =	vadd.f32 v33, v10;
	[tilespmem:s10+$0x10400] =	vst v17  }
0x69: {  	v59 =	vadd.f32 v21, v15;
	v8 =	vadd.f32 v27, v8;
	[tilespmem:s10+$0x10210] =	vst v11  }
0x6a: {  	v6 =	vadd.f32 v28, v6;
	[tilespmem:s10+$0x10410] =	vst v10  }
0x6b: {  	v61 =	vadd.f32 v35, v59;
	[tilespmem:s10+$0x10220] =	vst v8  }
0x6c: {  	v5 =	vadd.f32 v29, v5;
	[tilespmem:s10+$0x10230] =	vst v6  }
0x6d: {  	v4 =	vadd.f32 v30, v4;
	[tilespmem:s10+$0x10430] =	vst v61  }
0x6e: {  	v2 =	vadd.f32 v31, v2;
	[tilespmem:s10+$0x10240] =	vst v5  }
0x6f: {  	v63 =	vadd.f32 v19, v9;
	v1 =	vadd.f32 v55, v1;
	[tilespmem:s10+$0x10250] =	vst v4  }
0x70: {  	v58 =	vadd.f32 v22, v16;
	s3 =	sadd.s32 $0x1, s3;
	v0 =	vadd.f32 v24, v0;
	[tilespmem:s10+$0x10260] =	vst v2  }
0x71: {  	p0 =	sne.s32 s3, $0x4;
	v60 =	vadd.f32 v20, v14;
	v3 =	vadd.f32 v57, v63;
	[tilespmem:s10+$0x10270] =	vst v1  }
.Ltmp1:
0x72: {  	v62 =	vadd.f32 v18, v12;
	v13 =	vadd.f32 v34, v58;
	[tilespmem:s10+$0x10470] =	vst v0;
	(pc) =	sbr.rel @p0 .LBB2_3-.Ltmp1, $4  }
0x73: {  	v8 =	vadd.f32 v36, v60;
	[tilespmem:s10+$0x10460] =	vst v3  }
0x74: {  	v6 =	vadd.f32 v56, v62;
	[tilespmem:s10+$0x10420] =	vst v13  }
0x75: {  	[tilespmem:s10+$0x10440] =	vst v8  }
0x76: {  	s18 =	sadd.s32 $0x1000, s18;
	s19 =	sadd.s32 $0x1000, s19;
	[tilespmem:s10+$0x10450] =	vst v6  }
0x77: {  	s3 =	sadd.s32 s11, s31  }
0x78: {  	s3 =	sshll.u32 s3, $0x7  }
0x79: {  	s10 =	sadd.s32 s7, s3  }
0x7a: {  	[hbm4b:s10+s5] =	stream.linear.scatter [tilespmem:s25], [sflag:$0x5], $0x200, $0x38;
	[tilespmem:$0x10600] =	vst v63  }
0x7b: {  	_ =	swait.ge [sflag:s15], $0x200  }
0x7c: {  	p0 =	seq.s32 s31, $0x27;
	[sflag:s15] =	ssyncset.done $0x0  }
0x7d: {  	s0 =	sadd.s32 @!p0 $0x2, s0;
	s3 =	sadd.s32 s8, s3;
	[sflag:s15] =	ssyncadd.s32 $0xFFFFFE00  }
0x7e: {  	[hbm4b:s3+s5] =	stream.linear.scatter [tilespmem:s26], [sflag:$0x5], $0x200, $0x38;
	[tilespmem:$0x10600] =	vst v63  }
0x7f: {  	s3 =	sadd.s32 @!p0 s9, s0  }
0x80: {  	s0 =	sshll.u32 @!p0 s0, $0x4;
	s3 =	sshll.u32 @!p0 s3, $0x4  }
0x81: {  	_ =	swait.ge [sflag:s15], $0x200;
	s0 =	sand.u32 @!p0 $0x60, s0;
	s3 =	sand.u32 @!p0 $0xFFFFF80, s3  }
0x82: {  	[sflag:s15] =	ssyncset.done $0x0;
	s0 =	sor.u32 @!p0 s0, s3  }
0x83: {  	s10 =	simm.s32 @!p0 $0x0;
	[sflag:s15] =	ssyncadd.s32 $0xFFFFFE00;
	s3 =	sadd.s32 @!p0 s6, s0  }
0x84: {  	[tilespmem:s10], [sflag:$0x5] =	stream.linear.gather @!p0 [hbm4b:s3+s10], $0x80, $0x38;
	[tilespmem:$0x10600] =	vst v63  }
0x85: {  	s3 =	simm.s32 @!p0 $0x5  }
0x86: {  	_ =	swait.ge @!p0 [sflag:s3], $0x80  }
0x87: {  	[sflag:s3] =	ssyncset.done @!p0 $0x0  }
0x88: {  	s12 =	simm.s32 @!p0 $0x100;
	s0 =	sadd.s32 @!p0 s4, s0;
	[sflag:s3] =	ssyncadd.s32 @!p0 $0xFFFFFF80  }
0x89: {  	[tilespmem:s12], [sflag:$0x5] =	stream.linear.gather @!p0 [hbm4b:s0+s10], $0x80, $0x38;
	[tilespmem:$0x10600] =	vst v63  }
0x8a: {  	_ =	swait.ge @!p0 [sflag:s3], $0x80  }
0x8b: {  	[sflag:s3] =	ssyncset.done @!p0 $0x0  }
0x8c: {  	s0 =	simm.s32 @!p0 $0x80;
	[sflag:s3] =	ssyncadd.s32 @!p0 $0xFFFFFF80;
	s3 =	simm.s32 @!p0 $0x200  }
0x8d: {  	[tilespmem:s3], [sflag:$0x1] =	stream.indirect.gather @!p0 [hbm4b:s1+s0], $0x80, s10, s0, $0xb8;
	[tilespmem:$0x10600] =	vst v63  }
0x8e: {  	s3 =	simm.s32 @!p0 $0x8200  }
0x8f: {  	[tilespmem:s3], [sflag:$0x3] =	stream.indirect.gather @!p0 [hbm4b:s2+s0], $0x80, s12, s0, $0xb8;
	[tilespmem:$0x10600] =	vst v63  }
0x90: {  	_ =	swait.ge [sflag:s28], $0x4000  }
0x91: {  	[sflag:s28] =	ssyncset.done $0x0  }
0x92: {  	[sflag:s28] =	ssyncadd.s32 $0xFFFFC000  }
0x93: {  	_ =	swait.ge [sflag:s29], $0x4000  }
0x94: {  	s18 =	simm.s32 $0xC270;
	[sflag:s29] =	ssyncset.done $0x0  }
0x95: {  	s0 =	simm.s32 $0x0;
	s3 =	simm.s32 $0x4240;
	[sflag:s29] =	ssyncadd.s32 $0xFFFFC000  }
.LBB2_7:
0x96: {  	v3 =	vmov s18  }
0x97: {  	v7 =	vmov s3;
	_ =	sdelay $0x2  }
0x98: {  	s12 =	simm.s32 $0x0  }
0x99: {  	v0 =	vld.idx.msk [tilespmem:v3+s12+$0x0 ss:$0x1], $0xffff  }
0x9a: {  	v1 =	vld.idx.msk [tilespmem:v7+s12+$0xFFFFFFC0 ss:$0x1], $0xffff  }
0x9b: {  	v2 =	vld.idx.msk [tilespmem:v7+s12+$0xFFFFFFD0 ss:$0x1], $0xffff  }
0x9c: {  	v4 =	vld.idx.msk [tilespmem:v7+s12+$0xFFFFFFE0 ss:$0x1], $0xffff  }
0x9d: {  	v5 =	vld.idx.msk [tilespmem:v7+s12+$0xFFFFFFF0 ss:$0x1], $0xffff  }
0x9e: {  	v9 =	vld.idx.msk [tilespmem:v7+s12+$0x0 ss:$0x1], $0xffff  }
0x9f: {  	v12 =	vld.idx.msk [tilespmem:v7+s12+$0x10 ss:$0x1], $0xffff  }
0xa0: {  	v14 =	vld.idx.msk [tilespmem:v7+s12+$0x20 ss:$0x1], $0xffff  }
0xa1: {  	v10 =	vimm.f32 $0.0e+00;
	v15 =	vld.idx.msk [tilespmem:v7+s12+$0x30 ss:$0x1], $0xffff  }
0xa2: {  	v16 =	vld.idx.msk [tilespmem:v3+s12+$0xFFFFFF90 ss:$0x1], $0xffff;
	v0 =	vadd.f32 v0, v10  }
0xa3: {  	v23 =	vld.idx.msk [tilespmem:v3+s12+$0xFFFFFFA0 ss:$0x1], $0xffff;
	v13 =	vadd.f32 v1, v10;
	v11 =	vadd.f32 v2, v10  }
0xa4: {  	v22 =	vld.idx.msk [tilespmem:v3+s12+$0xFFFFFFB0 ss:$0x1], $0xffff;
	v8 =	vadd.f32 v4, v10;
	v6 =	vadd.f32 v5, v10  }
0xa5: {  	v21 =	vld.idx.msk [tilespmem:v3+s12+$0xFFFFFFC0 ss:$0x1], $0xffff;
	v5 =	vadd.f32 v9, v10;
	v4 =	vadd.f32 v12, v10  }
0xa6: {  	v20 =	vld.idx.msk [tilespmem:v3+s12+$0xFFFFFFD0 ss:$0x1], $0xffff;
	v2 =	vadd.f32 v14, v10;
	v1 =	vadd.f32 v15, v10  }
0xa7: {  	v18 =	vld.idx.msk [tilespmem:v3+s12+$0xFFFFFFE0 ss:$0x1], $0xffff;
	v17 =	vadd.f32 v16, v10;
	v16 =	vimm.f32 $0.0e+00;
	v15 =	vimm.f32 $0.0e+00  }
0xa8: {  	s16 =	simm.s32 $0x80;
	s10 =	simm.s32 $0x400;
	v19 =	vld.idx.msk [tilespmem:v3+s12+$0xFFFFFFF0 ss:$0x1], $0xffff;
	v14 =	vimm.f32 $0.0e+00;
	v12 =	vimm.f32 $0.0e+00;
	v9 =	vimm.f32 $0.0e+00  }
.LBB2_8:
0xa9: {  	p0 =	sne.s32 s10, $0x3E00;
	v24 =	vld.idx.msk [tilespmem:v3+s16+$0x0 ss:$0x1], $0xffff;
	v10 =	vadd.f32 v23, v10  }
0xaa: {  	v16 =	vadd.f32 v22, v16;
	v23 =	vld.idx.msk [tilespmem:v7+s16+$0xFFFFFFC0 ss:$0x1], $0xffff  }
0xab: {  	v15 =	vadd.f32 v21, v15;
	v22 =	vld.idx.msk [tilespmem:v7+s16+$0xFFFFFFD0 ss:$0x1], $0xffff  }
0xac: {  	v14 =	vadd.f32 v20, v14;
	v21 =	vld.idx.msk [tilespmem:v7+s16+$0xFFFFFFE0 ss:$0x1], $0xffff  }
0xad: {  	v12 =	vadd.f32 v18, v12;
	v20 =	vld.idx.msk [tilespmem:v7+s16+$0xFFFFFFF0 ss:$0x1], $0xffff  }
0xae: {  	v9 =	vadd.f32 v19, v9;
	v18 =	vld.idx.msk [tilespmem:v7+s16+$0x0 ss:$0x1], $0xffff  }
0xaf: {  	v0 =	vadd.f32 v24, v0;
	v19 =	vld.idx.msk [tilespmem:v7+s16+$0x10 ss:$0x1], $0xffff  }
0xb0: {  	v13 =	vadd.f32 v23, v13;
	v24 =	vld.idx.msk [tilespmem:v7+s16+$0x20 ss:$0x1], $0xffff  }
0xb1: {  	v11 =	vadd.f32 v22, v11;
	v25 =	vld.idx.msk [tilespmem:v7+s16+$0x30 ss:$0x1], $0xffff  }
0xb2: {  	v8 =	vadd.f32 v21, v8;
	v26 =	vld.idx.msk [tilespmem:v3+s16+$0xFFFFFF90 ss:$0x1], $0xffff  }
0xb3: {  	v6 =	vadd.f32 v20, v6;
	v23 =	vld.idx.msk [tilespmem:v3+s16+$0xFFFFFFA0 ss:$0x1], $0xffff  }
.Ltmp2:
0xb4: {  	v5 =	vadd.f32 v18, v5;
	v22 =	vld.idx.msk [tilespmem:v3+s16+$0xFFFFFFB0 ss:$0x1], $0xffff;
	(pc) =	sbr.rel @p0 .LBB2_8-.Ltmp2, $4  }
0xb5: {  	v4 =	vadd.f32 v19, v4;
	v21 =	vld.idx.msk [tilespmem:v3+s16+$0xFFFFFFC0 ss:$0x1], $0xffff  }
0xb6: {  	v2 =	vadd.f32 v24, v2;
	v20 =	vld.idx.msk [tilespmem:v3+s16+$0xFFFFFFD0 ss:$0x1], $0xffff  }
0xb7: {  	v1 =	vadd.f32 v25, v1;
	v18 =	vld.idx.msk [tilespmem:v3+s16+$0xFFFFFFE0 ss:$0x1], $0xffff  }
0xb8: {  	v17 =	vadd.f32 v26, v17;
	v19 =	vld.idx.msk [tilespmem:v3+s16+$0xFFFFFFF0 ss:$0x1], $0xffff;
	s16 =	sshra.s32 s10, $0x2;
	s10 =	sadd.s32 $0x200, s10  }
0xb9: {  	_ =	sdelay $0x3  }
0xba: {  	v24 =	vld.idx.msk [tilespmem:v3+s16+$0x0 ss:$0x1], $0xffff  }
0xbb: {  	v25 =	vld.idx.msk [tilespmem:v7+s16+$0xFFFFFFC0 ss:$0x1], $0xffff  }
0xbc: {  	v26 =	vld.idx.msk [tilespmem:v7+s16+$0xFFFFFFD0 ss:$0x1], $0xffff  }
0xbd: {  	v27 =	vld.idx.msk [tilespmem:v7+s16+$0xFFFFFFE0 ss:$0x1], $0xffff  }
0xbe: {  	v28 =	vld.idx.msk [tilespmem:v7+s16+$0xFFFFFFF0 ss:$0x1], $0xffff  }
0xbf: {  	v29 =	vld.idx.msk [tilespmem:v7+s16+$0x0 ss:$0x1], $0xffff  }
0xc0: {  	v30 =	vld.idx.msk [tilespmem:v7+s16+$0x10 ss:$0x1], $0xffff  }
0xc1: {  	v31 =	vld.idx.msk [tilespmem:v7+s16+$0x20 ss:$0x1], $0xffff  }
0xc2: {  	v55 =	vld.idx.msk [tilespmem:v7+s16+$0x30 ss:$0x1], $0xffff  }
0xc3: {  	v32 =	vld.idx.msk [tilespmem:v3+s16+$0xFFFFFF90 ss:$0x1], $0xffff  }
0xc4: {  	v33 =	vld.idx.msk [tilespmem:v3+s16+$0xFFFFFFA0 ss:$0x1], $0xffff  }
0xc5: {  	v34 =	vld.idx.msk [tilespmem:v3+s16+$0xFFFFFFB0 ss:$0x1], $0xffff  }
0xc6: {  	v35 =	vld.idx.msk [tilespmem:v3+s16+$0xFFFFFFC0 ss:$0x1], $0xffff  }
0xc7: {  	v36 =	vld.idx.msk [tilespmem:v3+s16+$0xFFFFFFD0 ss:$0x1], $0xffff;
	v13 =	vadd.f32 v25, v13  }
0xc8: {  	v56 =	vld.idx.msk [tilespmem:v3+s16+$0xFFFFFFE0 ss:$0x1], $0xffff;
	v10 =	vadd.f32 v23, v10;
	s10 =	sshll.u32 s0, $0x7;
	v17 =	vadd.f32 v32, v17  }
0xc9: {  	v57 =	vld.idx.msk [tilespmem:v3+s16+$0xFFFFFFF0 ss:$0x1], $0xffff;
	v11 =	vadd.f32 v26, v11;
	[tilespmem:s10+$0x10200] =	vst v13  }
0xca: {  	v10 =	vadd.f32 v33, v10;
	[tilespmem:s10+$0x10400] =	vst v17  }
0xcb: {  	v59 =	vadd.f32 v21, v15;
	v8 =	vadd.f32 v27, v8;
	[tilespmem:s10+$0x10210] =	vst v11  }
0xcc: {  	v6 =	vadd.f32 v28, v6;
	[tilespmem:s10+$0x10410] =	vst v10  }
0xcd: {  	v61 =	vadd.f32 v35, v59;
	[tilespmem:s10+$0x10220] =	vst v8  }
0xce: {  	v5 =	vadd.f32 v29, v5;
	[tilespmem:s10+$0x10230] =	vst v6  }
0xcf: {  	v4 =	vadd.f32 v30, v4;
	[tilespmem:s10+$0x10430] =	vst v61  }
0xd0: {  	v2 =	vadd.f32 v31, v2;
	[tilespmem:s10+$0x10240] =	vst v5  }
0xd1: {  	v63 =	vadd.f32 v19, v9;
	v1 =	vadd.f32 v55, v1;
	[tilespmem:s10+$0x10250] =	vst v4  }
0xd2: {  	v58 =	vadd.f32 v22, v16;
	s0 =	sadd.s32 $0x1, s0;
	v0 =	vadd.f32 v24, v0;
	[tilespmem:s10+$0x10260] =	vst v2  }
0xd3: {  	p0 =	sne.s32 s0, $0x4;
	v60 =	vadd.f32 v20, v14;
	v3 =	vadd.f32 v57, v63;
	[tilespmem:s10+$0x10270] =	vst v1  }
.Ltmp3:
0xd4: {  	v62 =	vadd.f32 v18, v12;
	v13 =	vadd.f32 v34, v58;
	[tilespmem:s10+$0x10470] =	vst v0;
	(pc) =	sbr.rel @p0 .LBB2_7-.Ltmp3, $4  }
0xd5: {  	v8 =	vadd.f32 v36, v60;
	[tilespmem:s10+$0x10460] =	vst v3  }
0xd6: {  	v6 =	vadd.f32 v56, v62;
	[tilespmem:s10+$0x10420] =	vst v13  }
0xd7: {  	[tilespmem:s10+$0x10440] =	vst v8  }
0xd8: {  	s3 =	sadd.s32 $0x1000, s3;
	s18 =	sadd.s32 $0x1000, s18;
	[tilespmem:s10+$0x10450] =	vst v6  }
0xd9: {  	s0 =	sshll.u32 s31, $0xA  }
0xda: {  	s0 =	sadd.s32 s13, s0  }
0xdb: {  	s0 =	sshrl.u32 s0, $0x3  }
0xdc: {  	s0 =	sor.u32 $0x40, s0  }
0xdd: {  	s3 =	sadd.s32 s7, s0  }
0xde: {  	[hbm4b:s3+s5] =	stream.linear.scatter [tilespmem:s25], [sflag:$0x5], $0x200, $0x38;
	[tilespmem:$0x10600] =	vst v63  }
0xdf: {  	s31 =	sadd.s32 $0x1, s31;
	_ =	swait.ge [sflag:s15], $0x200  }
0xe0: {  	p0 =	sne.s32 s31, $0x28;
	[sflag:s15] =	ssyncset.done $0x0  }
.Ltmp4:
0xe1: {  	s0 =	sadd.s32 s8, s0;
	[sflag:s15] =	ssyncadd.s32 $0xFFFFFE00;
	(pc) =	sbr.rel @p0 .LBB2_2-.Ltmp4, $4  }
0xe2: {  	[hbm4b:s0+s5] =	stream.linear.scatter [tilespmem:s26], [sflag:$0x5], $0x200, $0x38;
	[tilespmem:$0x10600] =	vst v63  }
0xe3: {  	_ =	swait.ge [sflag:s15], $0x200  }
0xe4: {  	[sflag:s15] =	ssyncset.done $0x0  }
0xe5: {  	[sflag:s15] =	ssyncadd.s32 $0xFFFFFE00  }
0xe6: {  	s30 =	sadd.s32 $0x1, s30  }
0xe7: {  	p0 =	sne.s32 s30, s14  }
.Ltmp5:
0xe8: {  	_ = 	snop;
	(pc) =	sbr.rel @p0 .LBB2_1-.Ltmp5, $1  }
0xe9: {  	_ =	sdelay $0x3  }
0xea: {  	_ =	sfence.sel $0x180000  }
0xeb: {  	[bflag:$0x0] =	sbarrier.arrive $0xFFFF  }
0xec: {  	_ =	strace $0x90000047  }
0xed: {  	s0 =	stileid.u32;
	[bflag:$0x2] =	sbarrier.arrive $0xFFFF  }
0xee: {  	p0 =	sne.s32 s0, $0x0;
	s0 =	rddreg [dreg:$0x4]  }
0xef: {  	s0 =	sadd.s32 @!p0 $0x100000, s0  }
0xf0: {  	[sflag:s0] =	ssyncadd.tile.s32 @!p0 $0x1;
	_ =	shalt  }
.Lfunc_end2:
_tile_overlayer_lowered:
.L_overlay_start_2:
0xf1: {  	(tag) =	ssettag $0x2  }
0xf2: {  	s0 =	rddreg [dreg:$0x0];
	s2 =	stileid.u32  }
0xf3: {  	s1 =	rddreg [dreg:$0x1];
	p0 =	sne.s32 s2, $0x0  }
0xf4: {  	s3 =	rddreg [dreg:$0x2];
	[bflag:$0x3] =	sbarrier.arrive $0xFFFF;
	s2 =	simm.s32 @!p0 $0x1C05  }
0xf5: {  	[timem:s3], [sflag:s2] =	dma.local @!p0 [hbm:s0], s1  }
0xf6: {  	s0 =	simm.s32 @!p0 $0x5  }
0xf7: {  	_ =	swait.ge @!p0 [sflag:s0], s1  }
0xf8: {  	s1 =	ssub.s32 @!p0 $0x0, s1;
	[sflag:s0] =	ssyncset.done @!p0 $0x0  }
0xf9: {  	[sflag:s0] =	ssyncadd.s32 @!p0 s1  }
0xfa: {  	[bflag:$0x3] =	sbarrier.arrive $0xFFFF  }
0xfb: {  	_ =	shalt  }

</sc_bundles>
